<compile_context>
chip_gen: v7x
topology: tpu7x:2x2x1
jax: 0.10.2.dev20260603
libtpu: 0.0.44.dev20260713+nightly
codegen_flags: <defaults>
</compile_context>

<pallas_src>
import functools

import jax
import jax.numpy as jnp
from jax import lax
from jax.experimental import pallas as pl
from jax.experimental.pallas import tpu as pltpu
from jax.experimental.pallas import tpu_sc as plsc

N = 100000
D = 128
DIMG = 85
NG = 18
NP = 7
NFUSED = NG * NP

C = 128
NFULL = N // C
REM = N - NFULL * C

NC = 2
NS = 16
NW = NC * NS
L = 16
KMAX = -(-NFULL // NW)
REM_WID = NFULL % NW

_mesh = plsc.VectorSubcoreMesh(core_axis_name="c", subcore_axis_name="s")


def _rotate(x, idx):
    dnums = lax.GatherDimensionNumbers(
        offset_dims=(), collapsed_slice_dims=(0,), start_index_map=(0,))
    return lax.gather(x, idx[:, None], dnums, slice_sizes=(1,),
                      mode=lax.GatherScatterMode.PROMISE_IN_BOUNDS)


@functools.partial(
    pl.kernel,
    out_type=jax.ShapeDtypeStruct((N, D), jnp.float32),
    mesh=_mesh,
    scratch_types=[
        pltpu.VMEM_SHARED((128, D), jnp.float32),
        pltpu.VMEM((NG, DIMG), jnp.float32),
        pltpu.VMEM((NP, D - DIMG), jnp.float32),
        pltpu.VMEM((8, D), jnp.float32),
        [pltpu.VMEM((C,), jnp.int32)] * 2,
        [pltpu.VMEM((C,), jnp.int32)] * 2,
        [pltpu.VMEM((C,), jnp.int32)] * 2,
        pltpu.VMEM((REM,), jnp.int32),
        [pltpu.VMEM((C, D), jnp.float32)] * 2,
        [pltpu.SemaphoreType.DMA] * 2,
        [pltpu.SemaphoreType.DMA] * 2,
        [pltpu.SemaphoreType.DMA] * 2,
    ],
)
def _sc_embed(gtable_hbm, ptable_hbm, group_hbm, period_hbm, node_hbm,
              fused_sp, gt_v, pt_v, frows_v,
              gidx, pidx, fidx, fidx_rem, rows, sidx, sgat, swri):
    cid = lax.axis_index("c")
    sid = lax.axis_index("s")
    wid = sid * NC + cid

    pltpu.async_copy(group_hbm.at[pl.ds(wid * C, C)], gidx[0], sidx[0])
    pltpu.async_copy(period_hbm.at[pl.ds(wid * C, C)], pidx[0], sidx[0])
    pltpu.async_copy(group_hbm.at[pl.ds((wid + NW) * C, C)], gidx[1], sidx[1])
    pltpu.async_copy(period_hbm.at[pl.ds((wid + NW) * C, C)], pidx[1], sidx[1])

    pltpu.async_copy(gtable_hbm, gt_v, sgat[0])
    pltpu.async_copy(ptable_hbm, pt_v, sgat[1])
    pltpu.make_async_copy(gtable_hbm, gt_v, sgat[0]).wait()
    pltpu.make_async_copy(ptable_hbm, pt_v, sgat[1]).wait()
    lane = lax.iota(jnp.int32, L)
    rot = (lane + 11) % L
    def build(j, carry):
        r = sid * 8 + j

        @pl.when(r < NFUSED)
        def _():
            g = r // NP
            p = r - g * NP
            for q in range(5):
                sl = pl.ds(q * L, L)
                frows_v[j, sl] = gt_v[g, sl]
            gv = _rotate(gt_v[g, pl.ds(DIMG - L, L)], rot)
            pv = _rotate(pt_v[p, pl.ds(0, L)], rot)
            frows_v[j, pl.ds(80, L)] = jnp.where(lane < 5, gv, pv)
            frows_v[j, pl.ds(96, L)] = pt_v[p, pl.ds(11, L)]
            frows_v[j, pl.ds(112, L)] = pt_v[p, pl.ds(27, L)]

        return carry

    lax.fori_loop(0, 8, build, 0, unroll=False)
    pltpu.sync_copy(frows_v, fused_sp.at[pl.ds(sid * 8, 8)])
    plsc.subcore_barrier()


    def chunk_of(k):
        return wid + NW * k

    def issue_idx(k, b):
        base = chunk_of(k) * C
        pltpu.async_copy(group_hbm.at[pl.ds(base, C)], gidx[b], sidx[b])
        pltpu.async_copy(period_hbm.at[pl.ds(base, C)], pidx[b], sidx[b])

    def wait_idx(k, b):
        base = chunk_of(k) * C
        pltpu.make_async_copy(group_hbm.at[pl.ds(base, C)], gidx[b],
                              sidx[b]).wait()
        pltpu.make_async_copy(period_hbm.at[pl.ds(base, C)], pidx[b],
                              sidx[b]).wait()

    def wait_write(k, b):
        base = chunk_of(k) * C
        pltpu.make_async_copy(rows[b], node_hbm.at[pl.ds(base, C)],
                              swri[b]).wait()

    def step(k, b):
        @pl.when((k >= 2) & (chunk_of(k - 2) < NFULL))
        def _():
            wait_write(k - 2, b)

        @pl.when(chunk_of(k) < NFULL)
        def _():
            wait_idx(k, b)
            for q in range(C // L):
                sl = pl.ds(q * L, L)
                fidx[b][sl] = gidx[b][sl] * NP + pidx[b][sl]

            @pl.when(chunk_of(k + 2) < NFULL)
            def _():
                issue_idx(k + 2, b)

            base = chunk_of(k) * C
            pltpu.async_copy(fused_sp.at[fidx[b]], rows[b], sgat[b]).wait()
            pltpu.async_copy(rows[b], node_hbm.at[pl.ds(base, C)], swri[b])

    def pair(t, carry):
        for b in range(2):
            step(2 * t + b, b)
        return carry

    lax.fori_loop(0, (KMAX + 2) // 2, pair, 0, unroll=False)

    @pl.when(chunk_of(KMAX - 1) < NFULL)
    def _():
        wait_write(KMAX - 1, (KMAX - 1) % 2)

    if REM:
        @pl.when(wid == REM_WID)
        def _():
            base = NFULL * C
            rsl = pl.ds(0, REM)
            pltpu.sync_copy(group_hbm.at[pl.ds(base, REM)], gidx[0].at[rsl])
            pltpu.sync_copy(period_hbm.at[pl.ds(base, REM)], pidx[0].at[rsl])
            for q in range(REM // L):
                sl = pl.ds(q * L, L)
                fidx_rem[sl] = gidx[0][sl] * NP + pidx[0][sl]
            pltpu.async_copy(fused_sp.at[fidx_rem], rows[0].at[rsl],
                             sgat[0]).wait()
            pltpu.sync_copy(rows[0].at[rsl], node_hbm.at[pl.ds(base, REM)])


def kernel(group, period, gtable, ptable):
    return _sc_embed(gtable, ptable, group.astype(jnp.int32),
                     period.astype(jnp.int32))

# --- scband reference (transcript-rebuilt; emitter-appended) ---
"""Pipeline reference for scband-gpembedding-44590350467101 (READ-ONLY COPY).

The authoritative reference and input builder live on the scoring server;
editing this copy changes nothing except your own understanding.
"""

import jax, jax.numpy as jnp
import numpy as np

DIM = 128
TYPE_GROUP = 18
TYPE_PERIOD = 7
DIM_GROUP = int(DIM * 2 / 3)  # 85
DIM_PERIOD = DIM - DIM_GROUP  # 43
N_NODES = 100000


def setup_inputs(seed: int = 0) -> dict:
    key = jax.random.key(seed)
    k1, k2, k3, k4 = jax.random.split(key, 4)
    group = jax.random.randint(k1, (N_NODES,), 0, TYPE_GROUP, dtype=jnp.int64 if jax.config.jax_enable_x64 else jnp.int32)
    period = jax.random.randint(k2, (N_NODES,), 0, TYPE_PERIOD, dtype=jnp.int64 if jax.config.jax_enable_x64 else jnp.int32)
    gtable = jax.random.normal(k3, (TYPE_GROUP, DIM_GROUP), dtype=jnp.float32)
    ptable = jax.random.normal(k4, (TYPE_PERIOD, DIM_PERIOD), dtype=jnp.float32)
    # padding_idx=0 -> row 0 is zeros
    gtable = gtable.at[0].set(0.0)
    ptable = ptable.at[0].set(0.0)
    return {"group": group, "period": period, "gtable": gtable, "ptable": ptable}


def reference(group, period, gtable, ptable):
    # Embedding lookups (gather rows), then concat along feature dim
    gembed = jnp.take(gtable, group, axis=0)
    pembed = jnp.take(ptable, period, axis=0)
    node = jnp.concatenate((gembed, pembed), axis=1)
    return node

if __name__ == "__main__":
    import jax
    _d = setup_inputs()
    print(jax.jit(kernel)(*tuple(_d.values())))

</pallas_src>

<mosaic_0001>
#map = affine_map<(d0, d1) -> (0, 0)>
#map1 = affine_map<(d0, d1) -> (0)>
module attributes {stable_mosaic.version = 14 : i64} {
  func.func @_sc_embed(%arg0: i32, %arg1: i32, %arg2: memref<18x85xf32, #tpu.memory_space<hbm>>, %arg3: memref<7x43xf32, #tpu.memory_space<hbm>>, %arg4: memref<100000xi32, #tpu.memory_space<hbm>>, %arg5: memref<100000xi32, #tpu.memory_space<hbm>>, %arg6: memref<100000x128xf32, #tpu.memory_space<hbm>>, %arg7: memref<128x128xf32, #tpu.memory_space<vmem_shared>>, %arg8: memref<18x85xf32, #tpu.memory_space<vmem>>, %arg9: memref<7x43xf32, #tpu.memory_space<vmem>>, %arg10: memref<8x128xf32, #tpu.memory_space<vmem>>, %arg11: memref<128xi32, #tpu.memory_space<vmem>>, %arg12: memref<128xi32, #tpu.memory_space<vmem>>, %arg13: memref<128xi32, #tpu.memory_space<vmem>>, %arg14: memref<128xi32, #tpu.memory_space<vmem>>, %arg15: memref<128xi32, #tpu.memory_space<vmem>>, %arg16: memref<128xi32, #tpu.memory_space<vmem>>, %arg17: memref<32xi32, #tpu.memory_space<vmem>>, %arg18: memref<128x128xf32, #tpu.memory_space<vmem>>, %arg19: memref<128x128xf32, #tpu.memory_space<vmem>>, %arg20: memref<!tpu.dma_semaphore, #tpu.memory_space<semaphore_mem>>, %arg21: memref<!tpu.dma_semaphore, #tpu.memory_space<semaphore_mem>>, %arg22: memref<!tpu.dma_semaphore, #tpu.memory_space<semaphore_mem>>, %arg23: memref<!tpu.dma_semaphore, #tpu.memory_space<semaphore_mem>>, %arg24: memref<!tpu.dma_semaphore, #tpu.memory_space<semaphore_mem>>, %arg25: memref<!tpu.dma_semaphore, #tpu.memory_space<semaphore_mem>>) attributes {dimension_semantics = [#tpu.dimension_semantics<core_parallel>, #tpu.dimension_semantics<subcore_parallel>], iteration_bounds = array<i64: 2, 16>, scalar_prefetch = 0 : i64, scratch_operands = 19 : i64, tpu.core_type = #tpu.core_type<sc_vector_subcore>, window_params = [{transform_indices = #map}, {transform_indices = #map}, {transform_indices = #map1}, {transform_indices = #map1}, {transform_indices = #map}]} {
    %mul3A = arith.constant 2 : i32
    %mul3A_0 = arith.muli %arg1, %mul3A : i32
    %add3A = arith.addi %mul3A_0, %arg0 : i32
    %mul3A_1 = arith.constant 128 : i32
    %mul3A_2 = arith.muli %add3A, %mul3A_1 : i32
    %dma_start3A = tpu.memref_slice %arg4[%mul3A_2] : memref<100000xi32, #tpu.memory_space<hbm>> -> memref<128xi32, #tpu.memory_space<hbm>>
    %dma_start3A_3 = tpu.memref_slice %arg4[%mul3A_2] : memref<100000xi32, #tpu.memory_space<hbm>> -> memref<128xi32, #tpu.memory_space<hbm>>
    tpu.enqueue_dma source(%dma_start3A_3 : memref<128xi32, #tpu.memory_space<hbm>>) target(%arg11 : memref<128xi32, #tpu.memory_space<vmem>>) target_semaphore(%arg20 : memref<!tpu.dma_semaphore, #tpu.memory_space<semaphore_mem>>)
    %mul3A_4 = arith.constant 128 : i32
    %mul3A_5 = arith.muli %add3A, %mul3A_4 : i32
    %dma_start3A_6 = tpu.memref_slice %arg5[%mul3A_5] : memref<100000xi32, #tpu.memory_space<hbm>> -> memref<128xi32, #tpu.memory_space<hbm>>
    %dma_start3A_7 = tpu.memref_slice %arg5[%mul3A_5] : memref<100000xi32, #tpu.memory_space<hbm>> -> memref<128xi32, #tpu.memory_space<hbm>>
    tpu.enqueue_dma source(%dma_start3A_7 : memref<128xi32, #tpu.memory_space<hbm>>) target(%arg13 : memref<128xi32, #tpu.memory_space<vmem>>) target_semaphore(%arg20 : memref<!tpu.dma_semaphore, #tpu.memory_space<semaphore_mem>>)
    %add3A_8 = arith.constant 32 : i32
    %add3A_9 = arith.addi %add3A, %add3A_8 : i32
    %mul3A_10 = arith.constant 128 : i32
    %mul3A_11 = arith.muli %add3A_9, %mul3A_10 : i32
    %dma_start3A_12 = tpu.memref_slice %arg4[%mul3A_11] : memref<100000xi32, #tpu.memory_space<hbm>> -> memref<128xi32, #tpu.memory_space<hbm>>
    %dma_start3A_13 = tpu.memref_slice %arg4[%mul3A_11] : memref<100000xi32, #tpu.memory_space<hbm>> -> memref<128xi32, #tpu.memory_space<hbm>>
    tpu.enqueue_dma source(%dma_start3A_13 : memref<128xi32, #tpu.memory_space<hbm>>) target(%arg12 : memref<128xi32, #tpu.memory_space<vmem>>) target_semaphore(%arg21 : memref<!tpu.dma_semaphore, #tpu.memory_space<semaphore_mem>>)
    %add3A_14 = arith.constant 32 : i32
    %add3A_15 = arith.addi %add3A, %add3A_14 : i32
    %mul3A_16 = arith.constant 128 : i32
    %mul3A_17 = arith.muli %add3A_15, %mul3A_16 : i32
    %dma_start3A_18 = tpu.memref_slice %arg5[%mul3A_17] : memref<100000xi32, #tpu.memory_space<hbm>> -> memref<128xi32, #tpu.memory_space<hbm>>
    %dma_start3A_19 = tpu.memref_slice %arg5[%mul3A_17] : memref<100000xi32, #tpu.memory_space<hbm>> -> memref<128xi32, #tpu.memory_space<hbm>>
    tpu.enqueue_dma source(%dma_start3A_19 : memref<128xi32, #tpu.memory_space<hbm>>) target(%arg14 : memref<128xi32, #tpu.memory_space<vmem>>) target_semaphore(%arg21 : memref<!tpu.dma_semaphore, #tpu.memory_space<semaphore_mem>>)
    tpu.enqueue_dma source(%arg2 : memref<18x85xf32, #tpu.memory_space<hbm>>) target(%arg8 : memref<18x85xf32, #tpu.memory_space<vmem>>) target_semaphore(%arg22 : memref<!tpu.dma_semaphore, #tpu.memory_space<semaphore_mem>>)
    tpu.enqueue_dma source(%arg3 : memref<7x43xf32, #tpu.memory_space<hbm>>) target(%arg9 : memref<7x43xf32, #tpu.memory_space<vmem>>) target_semaphore(%arg23 : memref<!tpu.dma_semaphore, #tpu.memory_space<semaphore_mem>>)
    tpu.wait_dma2 semaphore(%arg22 : memref<!tpu.dma_semaphore, #tpu.memory_space<semaphore_mem>>) src(%arg2 : memref<18x85xf32, #tpu.memory_space<hbm>>) dst(%arg8 : memref<18x85xf32, #tpu.memory_space<vmem>>)
    tpu.wait_dma2 semaphore(%arg23 : memref<!tpu.dma_semaphore, #tpu.memory_space<semaphore_mem>>) src(%arg3 : memref<7x43xf32, #tpu.memory_space<hbm>>) dst(%arg9 : memref<7x43xf32, #tpu.memory_space<vmem>>)
    %iota3A = tpu.iota {dimensions = array<i32: 0>} : vector<16xi32>
    %add3A_20 = arith.constant 11 : i32
    %add3A_21 = vector.broadcast %add3A_20 : i32 to vector<16xi32>
    %add3A_22 = arith.addi %iota3A, %add3A_21 : vector<16xi32>
    %jit3A = arith.constant 16 : i32
    %eq3A = arith.constant 0 : i32
    %eq3A_23 = arith.cmpi eq, %jit3A, %eq3A : i32
    %jit3A_24 = arith.constant 1 : i32
    %select_n3A = arith.select %eq3A_23, %jit3A_24, %jit3A : i32
    %rem3A = vector.broadcast %select_n3A : i32 to vector<16xi32>
    %rem3A_25 = arith.remsi %add3A_22, %rem3A : vector<16xi32>
    %ne3A = arith.constant 0 : i32
    %ne3A_26 = vector.broadcast %ne3A : i32 to vector<16xi32>
    %ne3A_27 = arith.cmpi ne, %rem3A_25, %ne3A_26 : vector<16xi32>
    %lt3A = arith.constant 0 : i32
    %lt3A_28 = vector.broadcast %lt3A : i32 to vector<16xi32>
    %lt3A_29 = arith.cmpi slt, %rem3A_25, %lt3A_28 : vector<16xi32>
    %lt3A_30 = arith.constant 0 : i32
    %lt3A_31 = arith.cmpi slt, %select_n3A, %lt3A_30 : i32
    %ne3A_32 = vector.broadcast %lt3A_31 : i1 to vector<16xi1>
    %ne3A_33 = vector.broadcast %ne3A_32 : vector<16xi1> to vector<16xi1>
    %ne3A_34 = arith.xori %lt3A_29, %ne3A_33 : vector<16xi1>
    %and3A = arith.andi %ne3A_34, %ne3A_27 : vector<16xi1>
    %add3A_35 = vector.broadcast %select_n3A : i32 to vector<16xi32>
    %add3A_36 = arith.addi %rem3A_25, %add3A_35 : vector<16xi32>
    %select_n3A_37 = arith.select %and3A, %add3A_36, %rem3A_25 : vector<16xi1>, vector<16xi32>
    %scan3A = arith.constant 0 : i32
    %scan3A_38 = arith.constant 0 : i32
    %scan3A_39 = arith.constant 8 : i32
    %scan3A_40 = arith.addi %scan3A_38, %scan3A_39 : i32
    %scan3A_41 = arith.constant 1 : i32
    scf.for %scan3A_61 = %scan3A_38 to %scan3A_40 step %scan3A_41  : i32 {
      %mul3A_62 = arith.constant 8 : i32
      %mul3A_63 = arith.muli %arg1, %mul3A_62 : i32
      %add3A_64 = arith.addi %mul3A_63, %scan3A_61 : i32
      %lt3A_65 = arith.constant 126 : i32
      %lt3A_66 = arith.cmpi slt, %add3A_64, %lt3A_65 : i32
      %convert_element_type3A_67 = arith.extui %lt3A_66 : i1 to i32
      %cond3A_68 = arith.constant 0 : i32
      %cond3A_69 = arith.cmpi ne, %convert_element_type3A_67, %cond3A_68 : i32
      scf.if %cond3A_69 {
        %jit3A_70 = arith.constant 7 : i32
        %div3A = arith.divsi %add3A_64, %jit3A_70 : i32
        %sign3A = arith.constant 0 : i32
        %sign3A_71 = arith.cmpi sgt, %add3A_64, %sign3A : i32
        %sign3A_72 = arith.extui %sign3A_71 : i1 to i32
        %sign3A_73 = arith.constant 0 : i32
        %sign3A_74 = arith.cmpi slt, %add3A_64, %sign3A_73 : i32
        %sign3A_75 = arith.extui %sign3A_74 : i1 to i32
        %sign3A_76 = arith.subi %sign3A_72, %sign3A_75 : i32
        %sign3A_77 = arith.constant 0 : i32
        %sign3A_78 = arith.cmpi sgt, %jit3A_70, %sign3A_77 : i32
        %sign3A_79 = arith.extui %sign3A_78 : i1 to i32
        %sign3A_80 = arith.constant 0 : i32
        %sign3A_81 = arith.cmpi slt, %jit3A_70, %sign3A_80 : i32
        %sign3A_82 = arith.extui %sign3A_81 : i1 to i32
        %sign3A_83 = arith.subi %sign3A_79, %sign3A_82 : i32
        %ne3A_84 = arith.cmpi ne, %sign3A_76, %sign3A_83 : i32
        %rem3A_85 = arith.remsi %add3A_64, %jit3A_70 : i32
        %ne3A_86 = arith.constant 0 : i32
        %ne3A_87 = arith.cmpi ne, %rem3A_85, %ne3A_86 : i32
        %and3A_88 = arith.andi %ne3A_84, %ne3A_87 : i1
        %sub3A = arith.constant 1 : i32
        %sub3A_89 = arith.subi %div3A, %sub3A : i32
        %select_n3A_90 = arith.select %and3A_88, %sub3A_89, %div3A : i32
        %mul3A_91 = arith.constant 7 : i32
        %mul3A_92 = arith.muli %select_n3A_90, %mul3A_91 : i32
        %sub3A_93 = arith.subi %add3A_64, %mul3A_92 : i32
        %get3A = arith.index_cast %select_n3A_90 : i32 to index
        %get3A_94 = arith.constant 0 : index
        %get3A_95 = tpu.vector_load %arg8[%get3A, %get3A_94] {strides = array<i32>} : memref<18x85xf32, #tpu.memory_space<vmem>>, vector<1x16xf32>,
        %get3A_96 = vector.shape_cast %get3A_95 : vector<1x16xf32> to vector<16xf32>
        %swap3A = arith.index_cast %scan3A_61 : i32 to index
        %swap3A_97 = arith.constant 0 : index
        %swap3A_98 = tpu.vector_load %arg10[%swap3A, %swap3A_97] {strides = array<i32>} : memref<8x128xf32, #tpu.memory_space<vmem>>, vector<1x16xf32>,
        %swap3A_99 = vector.shape_cast %swap3A_98 : vector<1x16xf32> to vector<16xf32>
        %swap3A_100 = vector.shape_cast %get3A_96 : vector<16xf32> to vector<1x16xf32>
        tpu.vector_store %arg10[%swap3A, %swap3A_97], %swap3A_100 {strides = array<i32>} : memref<8x128xf32, #tpu.memory_space<vmem>>, vector<1x16xf32>,
        %get3A_101 = arith.index_cast %select_n3A_90 : i32 to index
        %get3A_102 = arith.constant 16 : index
        %get3A_103 = tpu.vector_load %arg8[%get3A_101, %get3A_102] {strides = array<i32>} : memref<18x85xf32, #tpu.memory_space<vmem>>, vector<1x16xf32>,
        %get3A_104 = vector.shape_cast %get3A_103 : vector<1x16xf32> to vector<16xf32>
        %swap3A_105 = arith.index_cast %scan3A_61 : i32 to index
        %swap3A_106 = arith.constant 16 : index
        %swap3A_107 = tpu.vector_load %arg10[%swap3A_105, %swap3A_106] {strides = array<i32>} : memref<8x128xf32, #tpu.memory_space<vmem>>, vector<1x16xf32>,
        %swap3A_108 = vector.shape_cast %swap3A_107 : vector<1x16xf32> to vector<16xf32>
        %swap3A_109 = vector.shape_cast %get3A_104 : vector<16xf32> to vector<1x16xf32>
        tpu.vector_store %arg10[%swap3A_105, %swap3A_106], %swap3A_109 {strides = array<i32>} : memref<8x128xf32, #tpu.memory_space<vmem>>, vector<1x16xf32>,
        %get3A_110 = arith.index_cast %select_n3A_90 : i32 to index
        %get3A_111 = arith.constant 32 : index
        %get3A_112 = tpu.vector_load %arg8[%get3A_110, %get3A_111] {strides = array<i32>} : memref<18x85xf32, #tpu.memory_space<vmem>>, vector<1x16xf32>,
        %get3A_113 = vector.shape_cast %get3A_112 : vector<1x16xf32> to vector<16xf32>
        %swap3A_114 = arith.index_cast %scan3A_61 : i32 to index
        %swap3A_115 = arith.constant 32 : index
        %swap3A_116 = tpu.vector_load %arg10[%swap3A_114, %swap3A_115] {strides = array<i32>} : memref<8x128xf32, #tpu.memory_space<vmem>>, vector<1x16xf32>,
        %swap3A_117 = vector.shape_cast %swap3A_116 : vector<1x16xf32> to vector<16xf32>
        %swap3A_118 = vector.shape_cast %get3A_113 : vector<16xf32> to vector<1x16xf32>
        tpu.vector_store %arg10[%swap3A_114, %swap3A_115], %swap3A_118 {strides = array<i32>} : memref<8x128xf32, #tpu.memory_space<vmem>>, vector<1x16xf32>,
        %get3A_119 = arith.index_cast %select_n3A_90 : i32 to index
        %get3A_120 = arith.constant 48 : index
        %get3A_121 = tpu.vector_load %arg8[%get3A_119, %get3A_120] {strides = array<i32>} : memref<18x85xf32, #tpu.memory_space<vmem>>, vector<1x16xf32>,
        %get3A_122 = vector.shape_cast %get3A_121 : vector<1x16xf32> to vector<16xf32>
        %swap3A_123 = arith.index_cast %scan3A_61 : i32 to index
        %swap3A_124 = arith.constant 48 : index
        %swap3A_125 = tpu.vector_load %arg10[%swap3A_123, %swap3A_124] {strides = array<i32>} : memref<8x128xf32, #tpu.memory_space<vmem>>, vector<1x16xf32>,
        %swap3A_126 = vector.shape_cast %swap3A_125 : vector<1x16xf32> to vector<16xf32>
        %swap3A_127 = vector.shape_cast %get3A_122 : vector<16xf32> to vector<1x16xf32>
        tpu.vector_store %arg10[%swap3A_123, %swap3A_124], %swap3A_127 {strides = array<i32>} : memref<8x128xf32, #tpu.memory_space<vmem>>, vector<1x16xf32>,
        %get3A_128 = arith.index_cast %select_n3A_90 : i32 to index
        %get3A_129 = arith.constant 64 : index
        %get3A_130 = tpu.vector_load %arg8[%get3A_128, %get3A_129] {strides = array<i32>} : memref<18x85xf32, #tpu.memory_space<vmem>>, vector<1x16xf32>,
        %get3A_131 = vector.shape_cast %get3A_130 : vector<1x16xf32> to vector<16xf32>
        %swap3A_132 = arith.index_cast %scan3A_61 : i32 to index
        %swap3A_133 = arith.constant 64 : index
        %swap3A_134 = tpu.vector_load %arg10[%swap3A_132, %swap3A_133] {strides = array<i32>} : memref<8x128xf32, #tpu.memory_space<vmem>>, vector<1x16xf32>,
        %swap3A_135 = vector.shape_cast %swap3A_134 : vector<1x16xf32> to vector<16xf32>
        %swap3A_136 = vector.shape_cast %get3A_131 : vector<16xf32> to vector<1x16xf32>
        tpu.vector_store %arg10[%swap3A_132, %swap3A_133], %swap3A_136 {strides = array<i32>} : memref<8x128xf32, #tpu.memory_space<vmem>>, vector<1x16xf32>,
        %get3A_137 = arith.index_cast %select_n3A_90 : i32 to index
        %get3A_138 = arith.constant 69 : index
        %get3A_139 = tpu.vector_load %arg8[%get3A_137, %get3A_138] {strides = array<i32>} : memref<18x85xf32, #tpu.memory_space<vmem>>, vector<1x16xf32>,
        %get3A_140 = vector.shape_cast %get3A_139 : vector<1x16xf32> to vector<16xf32>
        %broadcast_in_dim3A = vector.shape_cast %select_n3A_37 : vector<16xi32> to vector<16x1xi32>
        %gather3A = vector.shape_cast %broadcast_in_dim3A : vector<16x1xi32> to vector<16xi32>
        %gather3A_141 = tpu.dynamic_gather %get3A_140[%gather3A] in [0] : vector<16xf32>, vector<16xi32> -> vector<16xf32>
        %get3A_142 = arith.index_cast %sub3A_93 : i32 to index
        %get3A_143 = arith.constant 0 : index
        %get3A_144 = tpu.vector_load %arg9[%get3A_142, %get3A_143] {strides = array<i32>} : memref<7x43xf32, #tpu.memory_space<vmem>>, vector<1x16xf32>,
        %get3A_145 = vector.shape_cast %get3A_144 : vector<1x16xf32> to vector<16xf32>
        %broadcast_in_dim3A_146 = vector.shape_cast %select_n3A_37 : vector<16xi32> to vector<16x1xi32>
        %gather3A_147 = vector.shape_cast %broadcast_in_dim3A_146 : vector<16x1xi32> to vector<16xi32>
        %gather3A_148 = tpu.dynamic_gather %get3A_145[%gather3A_147] in [0] : vector<16xf32>, vector<16xi32> -> vector<16xf32>
        %lt3A_149 = arith.constant 5 : i32
        %lt3A_150 = vector.broadcast %lt3A_149 : i32 to vector<16xi32>
        %lt3A_151 = arith.cmpi slt, %iota3A, %lt3A_150 : vector<16xi32>
        %select_n3A_152 = arith.select %lt3A_151, %gather3A_141, %gather3A_148 : vector<16xi1>, vector<16xf32>
        %swap3A_153 = arith.index_cast %scan3A_61 : i32 to index
        %swap3A_154 = arith.constant 80 : index
        %swap3A_155 = tpu.vector_load %arg10[%swap3A_153, %swap3A_154] {strides = array<i32>} : memref<8x128xf32, #tpu.memory_space<vmem>>, vector<1x16xf32>,
        %swap3A_156 = vector.shape_cast %swap3A_155 : vector<1x16xf32> to vector<16xf32>
        %swap3A_157 = vector.shape_cast %select_n3A_152 : vector<16xf32> to vector<1x16xf32>
        tpu.vector_store %arg10[%swap3A_153, %swap3A_154], %swap3A_157 {strides = array<i32>} : memref<8x128xf32, #tpu.memory_space<vmem>>, vector<1x16xf32>,
        %get3A_158 = arith.index_cast %sub3A_93 : i32 to index
        %get3A_159 = arith.constant 11 : index
        %get3A_160 = tpu.vector_load %arg9[%get3A_158, %get3A_159] {strides = array<i32>} : memref<7x43xf32, #tpu.memory_space<vmem>>, vector<1x16xf32>,
        %get3A_161 = vector.shape_cast %get3A_160 : vector<1x16xf32> to vector<16xf32>
        %swap3A_162 = arith.index_cast %scan3A_61 : i32 to index
        %swap3A_163 = arith.constant 96 : index
        %swap3A_164 = tpu.vector_load %arg10[%swap3A_162, %swap3A_163] {strides = array<i32>} : memref<8x128xf32, #tpu.memory_space<vmem>>, vector<1x16xf32>,
        %swap3A_165 = vector.shape_cast %swap3A_164 : vector<1x16xf32> to vector<16xf32>
        %swap3A_166 = vector.shape_cast %get3A_161 : vector<16xf32> to vector<1x16xf32>
        tpu.vector_store %arg10[%swap3A_162, %swap3A_163], %swap3A_166 {strides = array<i32>} : memref<8x128xf32, #tpu.memory_space<vmem>>, vector<1x16xf32>,
        %get3A_167 = arith.index_cast %sub3A_93 : i32 to index
        %get3A_168 = arith.constant 27 : index
        %get3A_169 = tpu.vector_load %arg9[%get3A_167, %get3A_168] {strides = array<i32>} : memref<7x43xf32, #tpu.memory_space<vmem>>, vector<1x16xf32>,
        %get3A_170 = vector.shape_cast %get3A_169 : vector<1x16xf32> to vector<16xf32>
        %swap3A_171 = arith.index_cast %scan3A_61 : i32 to index
        %swap3A_172 = arith.constant 112 : index
        %swap3A_173 = tpu.vector_load %arg10[%swap3A_171, %swap3A_172] {strides = array<i32>} : memref<8x128xf32, #tpu.memory_space<vmem>>, vector<1x16xf32>,
        %swap3A_174 = vector.shape_cast %swap3A_173 : vector<1x16xf32> to vector<16xf32>
        %swap3A_175 = vector.shape_cast %get3A_170 : vector<16xf32> to vector<1x16xf32>
        tpu.vector_store %arg10[%swap3A_171, %swap3A_172], %swap3A_175 {strides = array<i32>} : memref<8x128xf32, #tpu.memory_space<vmem>>, vector<1x16xf32>,
      } else {
      }
    }
    %scan3A_42 = arith.constant 8 : i32
    %mul3A_43 = arith.constant 8 : i32
    %mul3A_44 = arith.muli %arg1, %mul3A_43 : i32
    "tpu.region"() ({
      %run_scoped3A = tpu.sem_alloc : memref<!tpu.dma_semaphore, #tpu.memory_space<semaphore_mem>>
      %dma_start3A_61 = arith.constant 0 : i32
      %dma_start3A_62 = tpu.memref_slice %arg7[%mul3A_44, %dma_start3A_61] : memref<128x128xf32, #tpu.memory_space<vmem_shared>> -> memref<8x128xf32, #tpu.memory_space<vmem_shared>>
      %dma_start3A_63 = arith.constant 0 : i32
      %dma_start3A_64 = tpu.memref_slice %arg7[%mul3A_44, %dma_start3A_63] : memref<128x128xf32, #tpu.memory_space<vmem_shared>> -> memref<8x128xf32, #tpu.memory_space<vmem_shared>>
      tpu.enqueue_dma source(%arg10 : memref<8x128xf32, #tpu.memory_space<vmem>>) target(%dma_start3A_64 : memref<8x128xf32, #tpu.memory_space<vmem_shared>>) target_semaphore(%run_scoped3A : memref<!tpu.dma_semaphore, #tpu.memory_space<semaphore_mem>>)
      %dma_wait3A = arith.constant 0 : i32
      %dma_wait3A_65 = tpu.memref_slice %arg7[%mul3A_44, %dma_wait3A] : memref<128x128xf32, #tpu.memory_space<vmem_shared>> -> memref<8x128xf32, #tpu.memory_space<vmem_shared>>
      %dma_wait3A_66 = arith.constant 0 : i32
      %dma_wait3A_67 = tpu.memref_slice %arg7[%mul3A_44, %dma_wait3A_66] : memref<128x128xf32, #tpu.memory_space<vmem_shared>> -> memref<8x128xf32, #tpu.memory_space<vmem_shared>>
      tpu.wait_dma2 semaphore(%run_scoped3A : memref<!tpu.dma_semaphore, #tpu.memory_space<semaphore_mem>>) src(%arg10 : memref<8x128xf32, #tpu.memory_space<vmem>>) dst(%dma_wait3A_67 : memref<8x128xf32, #tpu.memory_space<vmem_shared>>)
      tpu.yield
    }) : () -> ()
    %barrier3A = arith.constant 0 : index
    tpu.barrier barrier_id(%barrier3A)
    %scan3A_45 = arith.constant 0 : i32
    %scan3A_46 = arith.constant 0 : i32
    %scan3A_47 = arith.constant 13 : i32
    %scan3A_48 = arith.addi %scan3A_46, %scan3A_47 : i32
    %scan3A_49 = arith.constant 1 : i32
    scf.for %scan3A_61 = %scan3A_46 to %scan3A_48 step %scan3A_49  : i32 {
      %mul3A_62 = arith.constant 2 : i32
      %mul3A_63 = arith.muli %mul3A_62, %scan3A_61 : i32
      %add3A_64 = arith.constant 0 : i32
      %add3A_65 = arith.addi %mul3A_63, %add3A_64 : i32
      %ge3A = arith.constant 2 : i32
      %ge3A_66 = arith.cmpi sge, %add3A_65, %ge3A : i32
      %sub3A = arith.constant 2 : i32
      %sub3A_67 = arith.subi %add3A_65, %sub3A : i32
      %mul3A_68 = arith.constant 32 : i32
      %mul3A_69 = arith.muli %mul3A_68, %sub3A_67 : i32
      %add3A_70 = arith.addi %add3A, %mul3A_69 : i32
      %lt3A_71 = arith.constant 781 : i32
      %lt3A_72 = arith.cmpi slt, %add3A_70, %lt3A_71 : i32
      %and3A_73 = arith.andi %ge3A_66, %lt3A_72 : i1
      %convert_element_type3A_74 = arith.extui %and3A_73 : i1 to i32
      %cond3A_75 = arith.constant 0 : i32
      %cond3A_76 = arith.cmpi ne, %convert_element_type3A_74, %cond3A_75 : i32
      scf.if %cond3A_76 {
        %sub3A_110 = arith.constant 2 : i32
        %sub3A_111 = arith.subi %add3A_65, %sub3A_110 : i32
        %mul3A_112 = arith.constant 32 : i32
        %mul3A_113 = arith.muli %mul3A_112, %sub3A_111 : i32
        %add3A_114 = arith.addi %add3A, %mul3A_113 : i32
        %mul3A_115 = arith.constant 128 : i32
        %mul3A_116 = arith.muli %add3A_114, %mul3A_115 : i32
        %dma_wait3A = arith.constant 0 : i32
        %dma_wait3A_117 = tpu.memref_slice %arg6[%mul3A_116, %dma_wait3A] : memref<100000x128xf32, #tpu.memory_space<hbm>> -> memref<128x128xf32, #tpu.memory_space<hbm>>
        %dma_wait3A_118 = arith.constant 0 : i32
        %dma_wait3A_119 = tpu.memref_slice %arg6[%mul3A_116, %dma_wait3A_118] : memref<100000x128xf32, #tpu.memory_space<hbm>> -> memref<128x128xf32, #tpu.memory_space<hbm>>
        tpu.wait_dma2 semaphore(%arg24 : memref<!tpu.dma_semaphore, #tpu.memory_space<semaphore_mem>>) src(%arg18 : memref<128x128xf32, #tpu.memory_space<vmem>>) dst(%dma_wait3A_119 : memref<128x128xf32, #tpu.memory_space<hbm>>)
      } else {
      }
      %mul3A_77 = arith.constant 32 : i32
      %mul3A_78 = arith.muli %mul3A_77, %add3A_65 : i32
      %add3A_79 = arith.addi %add3A, %mul3A_78 : i32
      %lt3A_80 = arith.constant 781 : i32
      %lt3A_81 = arith.cmpi slt, %add3A_79, %lt3A_80 : i32
      %convert_element_type3A_82 = arith.extui %lt3A_81 : i1 to i32
      %cond3A_83 = arith.constant 0 : i32
      %cond3A_84 = arith.cmpi ne, %convert_element_type3A_82, %cond3A_83 : i32
      scf.if %cond3A_84 {
        %mul3A_110 = arith.constant 32 : i32
        %mul3A_111 = arith.muli %mul3A_110, %add3A_65 : i32
        %add3A_112 = arith.addi %add3A, %mul3A_111 : i32
        %mul3A_113 = arith.constant 128 : i32
        %mul3A_114 = arith.muli %add3A_112, %mul3A_113 : i32
        %dma_wait3A = tpu.memref_slice %arg4[%mul3A_114] : memref<100000xi32, #tpu.memory_space<hbm>> -> memref<128xi32, #tpu.memory_space<hbm>>
        %dma_wait3A_115 = tpu.memref_slice %arg4[%mul3A_114] : memref<100000xi32, #tpu.memory_space<hbm>> -> memref<128xi32, #tpu.memory_space<hbm>>
        tpu.wait_dma2 semaphore(%arg20 : memref<!tpu.dma_semaphore, #tpu.memory_space<semaphore_mem>>) src(%dma_wait3A_115 : memref<128xi32, #tpu.memory_space<hbm>>) dst(%arg11 : memref<128xi32, #tpu.memory_space<vmem>>)
        %dma_wait3A_116 = tpu.memref_slice %arg5[%mul3A_114] : memref<100000xi32, #tpu.memory_space<hbm>> -> memref<128xi32, #tpu.memory_space<hbm>>
        %dma_wait3A_117 = tpu.memref_slice %arg5[%mul3A_114] : memref<100000xi32, #tpu.memory_space<hbm>> -> memref<128xi32, #tpu.memory_space<hbm>>
        tpu.wait_dma2 semaphore(%arg20 : memref<!tpu.dma_semaphore, #tpu.memory_space<semaphore_mem>>) src(%dma_wait3A_117 : memref<128xi32, #tpu.memory_space<hbm>>) dst(%arg13 : memref<128xi32, #tpu.memory_space<vmem>>)
        %get3A = arith.constant 0 : index
        %get3A_118 = tpu.vector_load %arg11[%get3A] {strides = array<i32>} : memref<128xi32, #tpu.memory_space<vmem>>, vector<16xi32>,
        %get3A_119 = vector.shape_cast %get3A_118 : vector<16xi32> to vector<16xi32>
        %mul3A_120 = arith.constant 7 : i32
        %mul3A_121 = vector.broadcast %mul3A_120 : i32 to vector<16xi32>
        %mul3A_122 = arith.muli %get3A_119, %mul3A_121 : vector<16xi32>
        %get3A_123 = arith.constant 0 : index
        %get3A_124 = tpu.vector_load %arg13[%get3A_123] {strides = array<i32>} : memref<128xi32, #tpu.memory_space<vmem>>, vector<16xi32>,
        %get3A_125 = vector.shape_cast %get3A_124 : vector<16xi32> to vector<16xi32>
        %add3A_126 = arith.addi %mul3A_122, %get3A_125 : vector<16xi32>
        %swap3A = arith.constant 0 : index
        %swap3A_127 = tpu.vector_load %arg15[%swap3A] {strides = array<i32>} : memref<128xi32, #tpu.memory_space<vmem>>, vector<16xi32>,
        %swap3A_128 = vector.shape_cast %swap3A_127 : vector<16xi32> to vector<16xi32>
        %swap3A_129 = vector.shape_cast %add3A_126 : vector<16xi32> to vector<16xi32>
        tpu.vector_store %arg15[%swap3A], %swap3A_129 {strides = array<i32>} : memref<128xi32, #tpu.memory_space<vmem>>, vector<16xi32>,
        %get3A_130 = arith.constant 16 : index
        %get3A_131 = tpu.vector_load %arg11[%get3A_130] {strides = array<i32>} : memref<128xi32, #tpu.memory_space<vmem>>, vector<16xi32>,
        %get3A_132 = vector.shape_cast %get3A_131 : vector<16xi32> to vector<16xi32>
        %mul3A_133 = arith.constant 7 : i32
        %mul3A_134 = vector.broadcast %mul3A_133 : i32 to vector<16xi32>
        %mul3A_135 = arith.muli %get3A_132, %mul3A_134 : vector<16xi32>
        %get3A_136 = arith.constant 16 : index
        %get3A_137 = tpu.vector_load %arg13[%get3A_136] {strides = array<i32>} : memref<128xi32, #tpu.memory_space<vmem>>, vector<16xi32>,
        %get3A_138 = vector.shape_cast %get3A_137 : vector<16xi32> to vector<16xi32>
        %add3A_139 = arith.addi %mul3A_135, %get3A_138 : vector<16xi32>
        %swap3A_140 = arith.constant 16 : index
        %swap3A_141 = tpu.vector_load %arg15[%swap3A_140] {strides = array<i32>} : memref<128xi32, #tpu.memory_space<vmem>>, vector<16xi32>,
        %swap3A_142 = vector.shape_cast %swap3A_141 : vector<16xi32> to vector<16xi32>
        %swap3A_143 = vector.shape_cast %add3A_139 : vector<16xi32> to vector<16xi32>
        tpu.vector_store %arg15[%swap3A_140], %swap3A_143 {strides = array<i32>} : memref<128xi32, #tpu.memory_space<vmem>>, vector<16xi32>,
        %get3A_144 = arith.constant 32 : index
        %get3A_145 = tpu.vector_load %arg11[%get3A_144] {strides = array<i32>} : memref<128xi32, #tpu.memory_space<vmem>>, vector<16xi32>,
        %get3A_146 = vector.shape_cast %get3A_145 : vector<16xi32> to vector<16xi32>
        %mul3A_147 = arith.constant 7 : i32
        %mul3A_148 = vector.broadcast %mul3A_147 : i32 to vector<16xi32>
        %mul3A_149 = arith.muli %get3A_146, %mul3A_148 : vector<16xi32>
        %get3A_150 = arith.constant 32 : index
        %get3A_151 = tpu.vector_load %arg13[%get3A_150] {strides = array<i32>} : memref<128xi32, #tpu.memory_space<vmem>>, vector<16xi32>,
        %get3A_152 = vector.shape_cast %get3A_151 : vector<16xi32> to vector<16xi32>
        %add3A_153 = arith.addi %mul3A_149, %get3A_152 : vector<16xi32>
        %swap3A_154 = arith.constant 32 : index
        %swap3A_155 = tpu.vector_load %arg15[%swap3A_154] {strides = array<i32>} : memref<128xi32, #tpu.memory_space<vmem>>, vector<16xi32>,
        %swap3A_156 = vector.shape_cast %swap3A_155 : vector<16xi32> to vector<16xi32>
        %swap3A_157 = vector.shape_cast %add3A_153 : vector<16xi32> to vector<16xi32>
        tpu.vector_store %arg15[%swap3A_154], %swap3A_157 {strides = array<i32>} : memref<128xi32, #tpu.memory_space<vmem>>, vector<16xi32>,
        %get3A_158 = arith.constant 48 : index
        %get3A_159 = tpu.vector_load %arg11[%get3A_158] {strides = array<i32>} : memref<128xi32, #tpu.memory_space<vmem>>, vector<16xi32>,
        %get3A_160 = vector.shape_cast %get3A_159 : vector<16xi32> to vector<16xi32>
        %mul3A_161 = arith.constant 7 : i32
        %mul3A_162 = vector.broadcast %mul3A_161 : i32 to vector<16xi32>
        %mul3A_163 = arith.muli %get3A_160, %mul3A_162 : vector<16xi32>
        %get3A_164 = arith.constant 48 : index
        %get3A_165 = tpu.vector_load %arg13[%get3A_164] {strides = array<i32>} : memref<128xi32, #tpu.memory_space<vmem>>, vector<16xi32>,
        %get3A_166 = vector.shape_cast %get3A_165 : vector<16xi32> to vector<16xi32>
        %add3A_167 = arith.addi %mul3A_163, %get3A_166 : vector<16xi32>
        %swap3A_168 = arith.constant 48 : index
        %swap3A_169 = tpu.vector_load %arg15[%swap3A_168] {strides = array<i32>} : memref<128xi32, #tpu.memory_space<vmem>>, vector<16xi32>,
        %swap3A_170 = vector.shape_cast %swap3A_169 : vector<16xi32> to vector<16xi32>
        %swap3A_171 = vector.shape_cast %add3A_167 : vector<16xi32> to vector<16xi32>
        tpu.vector_store %arg15[%swap3A_168], %swap3A_171 {strides = array<i32>} : memref<128xi32, #tpu.memory_space<vmem>>, vector<16xi32>,
        %get3A_172 = arith.constant 64 : index
        %get3A_173 = tpu.vector_load %arg11[%get3A_172] {strides = array<i32>} : memref<128xi32, #tpu.memory_space<vmem>>, vector<16xi32>,
        %get3A_174 = vector.shape_cast %get3A_173 : vector<16xi32> to vector<16xi32>
        %mul3A_175 = arith.constant 7 : i32
        %mul3A_176 = vector.broadcast %mul3A_175 : i32 to vector<16xi32>
        %mul3A_177 = arith.muli %get3A_174, %mul3A_176 : vector<16xi32>
        %get3A_178 = arith.constant 64 : index
        %get3A_179 = tpu.vector_load %arg13[%get3A_178] {strides = array<i32>} : memref<128xi32, #tpu.memory_space<vmem>>, vector<16xi32>,
        %get3A_180 = vector.shape_cast %get3A_179 : vector<16xi32> to vector<16xi32>
        %add3A_181 = arith.addi %mul3A_177, %get3A_180 : vector<16xi32>
        %swap3A_182 = arith.constant 64 : index
        %swap3A_183 = tpu.vector_load %arg15[%swap3A_182] {strides = array<i32>} : memref<128xi32, #tpu.memory_space<vmem>>, vector<16xi32>,
        %swap3A_184 = vector.shape_cast %swap3A_183 : vector<16xi32> to vector<16xi32>
        %swap3A_185 = vector.shape_cast %add3A_181 : vector<16xi32> to vector<16xi32>
        tpu.vector_store %arg15[%swap3A_182], %swap3A_185 {strides = array<i32>} : memref<128xi32, #tpu.memory_space<vmem>>, vector<16xi32>,
        %get3A_186 = arith.constant 80 : index
        %get3A_187 = tpu.vector_load %arg11[%get3A_186] {strides = array<i32>} : memref<128xi32, #tpu.memory_space<vmem>>, vector<16xi32>,
        %get3A_188 = vector.shape_cast %get3A_187 : vector<16xi32> to vector<16xi32>
        %mul3A_189 = arith.constant 7 : i32
        %mul3A_190 = vector.broadcast %mul3A_189 : i32 to vector<16xi32>
        %mul3A_191 = arith.muli %get3A_188, %mul3A_190 : vector<16xi32>
        %get3A_192 = arith.constant 80 : index
        %get3A_193 = tpu.vector_load %arg13[%get3A_192] {strides = array<i32>} : memref<128xi32, #tpu.memory_space<vmem>>, vector<16xi32>,
        %get3A_194 = vector.shape_cast %get3A_193 : vector<16xi32> to vector<16xi32>
        %add3A_195 = arith.addi %mul3A_191, %get3A_194 : vector<16xi32>
        %swap3A_196 = arith.constant 80 : index
        %swap3A_197 = tpu.vector_load %arg15[%swap3A_196] {strides = array<i32>} : memref<128xi32, #tpu.memory_space<vmem>>, vector<16xi32>,
        %swap3A_198 = vector.shape_cast %swap3A_197 : vector<16xi32> to vector<16xi32>
        %swap3A_199 = vector.shape_cast %add3A_195 : vector<16xi32> to vector<16xi32>
        tpu.vector_store %arg15[%swap3A_196], %swap3A_199 {strides = array<i32>} : memref<128xi32, #tpu.memory_space<vmem>>, vector<16xi32>,
        %get3A_200 = arith.constant 96 : index
        %get3A_201 = tpu.vector_load %arg11[%get3A_200] {strides = array<i32>} : memref<128xi32, #tpu.memory_space<vmem>>, vector<16xi32>,
        %get3A_202 = vector.shape_cast %get3A_201 : vector<16xi32> to vector<16xi32>
        %mul3A_203 = arith.constant 7 : i32
        %mul3A_204 = vector.broadcast %mul3A_203 : i32 to vector<16xi32>
        %mul3A_205 = arith.muli %get3A_202, %mul3A_204 : vector<16xi32>
        %get3A_206 = arith.constant 96 : index
        %get3A_207 = tpu.vector_load %arg13[%get3A_206] {strides = array<i32>} : memref<128xi32, #tpu.memory_space<vmem>>, vector<16xi32>,
        %get3A_208 = vector.shape_cast %get3A_207 : vector<16xi32> to vector<16xi32>
        %add3A_209 = arith.addi %mul3A_205, %get3A_208 : vector<16xi32>
        %swap3A_210 = arith.constant 96 : index
        %swap3A_211 = tpu.vector_load %arg15[%swap3A_210] {strides = array<i32>} : memref<128xi32, #tpu.memory_space<vmem>>, vector<16xi32>,
        %swap3A_212 = vector.shape_cast %swap3A_211 : vector<16xi32> to vector<16xi32>
        %swap3A_213 = vector.shape_cast %add3A_209 : vector<16xi32> to vector<16xi32>
        tpu.vector_store %arg15[%swap3A_210], %swap3A_213 {strides = array<i32>} : memref<128xi32, #tpu.memory_space<vmem>>, vector<16xi32>,
        %get3A_214 = arith.constant 112 : index
        %get3A_215 = tpu.vector_load %arg11[%get3A_214] {strides = array<i32>} : memref<128xi32, #tpu.memory_space<vmem>>, vector<16xi32>,
        %get3A_216 = vector.shape_cast %get3A_215 : vector<16xi32> to vector<16xi32>
        %mul3A_217 = arith.constant 7 : i32
        %mul3A_218 = vector.broadcast %mul3A_217 : i32 to vector<16xi32>
        %mul3A_219 = arith.muli %get3A_216, %mul3A_218 : vector<16xi32>
        %get3A_220 = arith.constant 112 : index
        %get3A_221 = tpu.vector_load %arg13[%get3A_220] {strides = array<i32>} : memref<128xi32, #tpu.memory_space<vmem>>, vector<16xi32>,
        %get3A_222 = vector.shape_cast %get3A_221 : vector<16xi32> to vector<16xi32>
        %add3A_223 = arith.addi %mul3A_219, %get3A_222 : vector<16xi32>
        %swap3A_224 = arith.constant 112 : index
        %swap3A_225 = tpu.vector_load %arg15[%swap3A_224] {strides = array<i32>} : memref<128xi32, #tpu.memory_space<vmem>>, vector<16xi32>,
        %swap3A_226 = vector.shape_cast %swap3A_225 : vector<16xi32> to vector<16xi32>
        %swap3A_227 = vector.shape_cast %add3A_223 : vector<16xi32> to vector<16xi32>
        tpu.vector_store %arg15[%swap3A_224], %swap3A_227 {strides = array<i32>} : memref<128xi32, #tpu.memory_space<vmem>>, vector<16xi32>,
        %add3A_228 = arith.constant 2 : i32
        %add3A_229 = arith.addi %add3A_65, %add3A_228 : i32
        %mul3A_230 = arith.constant 32 : i32
        %mul3A_231 = arith.muli %mul3A_230, %add3A_229 : i32
        %add3A_232 = arith.addi %add3A, %mul3A_231 : i32
        %lt3A_233 = arith.constant 781 : i32
        %lt3A_234 = arith.cmpi slt, %add3A_232, %lt3A_233 : i32
        %convert_element_type3A_235 = arith.extui %lt3A_234 : i1 to i32
        %cond3A_236 = arith.constant 0 : i32
        %cond3A_237 = arith.cmpi ne, %convert_element_type3A_235, %cond3A_236 : i32
        scf.if %cond3A_237 {
          %add3A_253 = arith.constant 2 : i32
          %add3A_254 = arith.addi %add3A_65, %add3A_253 : i32
          %mul3A_255 = arith.constant 32 : i32
          %mul3A_256 = arith.muli %mul3A_255, %add3A_254 : i32
          %add3A_257 = arith.addi %add3A, %mul3A_256 : i32
          %mul3A_258 = arith.constant 128 : i32
          %mul3A_259 = arith.muli %add3A_257, %mul3A_258 : i32
          %dma_start3A_260 = tpu.memref_slice %arg4[%mul3A_259] : memref<100000xi32, #tpu.memory_space<hbm>> -> memref<128xi32, #tpu.memory_space<hbm>>
          %dma_start3A_261 = tpu.memref_slice %arg4[%mul3A_259] : memref<100000xi32, #tpu.memory_space<hbm>> -> memref<128xi32, #tpu.memory_space<hbm>>
          tpu.enqueue_dma source(%dma_start3A_261 : memref<128xi32, #tpu.memory_space<hbm>>) target(%arg11 : memref<128xi32, #tpu.memory_space<vmem>>) target_semaphore(%arg20 : memref<!tpu.dma_semaphore, #tpu.memory_space<semaphore_mem>>)
          %dma_start3A_262 = tpu.memref_slice %arg5[%mul3A_259] : memref<100000xi32, #tpu.memory_space<hbm>> -> memref<128xi32, #tpu.memory_space<hbm>>
          %dma_start3A_263 = tpu.memref_slice %arg5[%mul3A_259] : memref<100000xi32, #tpu.memory_space<hbm>> -> memref<128xi32, #tpu.memory_space<hbm>>
          tpu.enqueue_dma source(%dma_start3A_263 : memref<128xi32, #tpu.memory_space<hbm>>) target(%arg13 : memref<128xi32, #tpu.memory_space<vmem>>) target_semaphore(%arg20 : memref<!tpu.dma_semaphore, #tpu.memory_space<semaphore_mem>>)
        } else {
        }
        %mul3A_238 = arith.constant 32 : i32
        %mul3A_239 = arith.muli %mul3A_238, %add3A_65 : i32
        %add3A_240 = arith.addi %add3A, %mul3A_239 : i32
        %mul3A_241 = arith.constant 128 : i32
        %mul3A_242 = arith.muli %add3A_240, %mul3A_241 : i32
        %dma_start3A_243 = arith.constant 0 : i32
        %dma_start3A_244 = arith.constant 0 : i32
        %dma_start3A_245 = tpu.memref_slice %arg7[%dma_start3A_243, %dma_start3A_244] : memref<128x128xf32, #tpu.memory_space<vmem_shared>> -> memref<128x128xf32, #tpu.memory_space<vmem_shared>>
        tpu.enqueue_indirect_dma source(%dma_start3A_245 : memref<128x128xf32, #tpu.memory_space<vmem_shared>>) target(%arg18 : memref<128x128xf32, #tpu.memory_space<vmem>>) offsets(%arg15 : memref<128xi32, #tpu.memory_space<vmem>>) semaphore(%arg22 : memref<!tpu.dma_semaphore, #tpu.memory_space<semaphore_mem>>)
        %dma_wait3A_246 = arith.constant 0 : i32
        %dma_wait3A_247 = arith.constant 0 : i32
        %dma_wait3A_248 = tpu.memref_slice %arg7[%dma_wait3A_246, %dma_wait3A_247] : memref<128x128xf32, #tpu.memory_space<vmem_shared>> -> memref<128x128xf32, #tpu.memory_space<vmem_shared>>
        tpu.wait_indirect_dma semaphore(%arg22 : memref<!tpu.dma_semaphore, #tpu.memory_space<semaphore_mem>>) src(%dma_wait3A_248 : memref<128x128xf32, #tpu.memory_space<vmem_shared>>) dst(%arg18 : memref<128x128xf32, #tpu.memory_space<vmem>>)
        %dma_start3A_249 = arith.constant 0 : i32
        %dma_start3A_250 = tpu.memref_slice %arg6[%mul3A_242, %dma_start3A_249] : memref<100000x128xf32, #tpu.memory_space<hbm>> -> memref<128x128xf32, #tpu.memory_space<hbm>>
        %dma_start3A_251 = arith.constant 0 : i32
        %dma_start3A_252 = tpu.memref_slice %arg6[%mul3A_242, %dma_start3A_251] : memref<100000x128xf32, #tpu.memory_space<hbm>> -> memref<128x128xf32, #tpu.memory_space<hbm>>
        tpu.enqueue_dma source(%arg18 : memref<128x128xf32, #tpu.memory_space<vmem>>) target(%dma_start3A_252 : memref<128x128xf32, #tpu.memory_space<hbm>>) target_semaphore(%arg24 : memref<!tpu.dma_semaphore, #tpu.memory_space<semaphore_mem>>)
      } else {
      }
      %mul3A_85 = arith.constant 2 : i32
      %mul3A_86 = arith.muli %mul3A_85, %scan3A_61 : i32
      %add3A_87 = arith.constant 1 : i32
      %add3A_88 = arith.addi %mul3A_86, %add3A_87 : i32
      %ge3A_89 = arith.constant 2 : i32
      %ge3A_90 = arith.cmpi sge, %add3A_88, %ge3A_89 : i32
      %sub3A_91 = arith.constant 2 : i32
      %sub3A_92 = arith.subi %add3A_88, %sub3A_91 : i32
      %mul3A_93 = arith.constant 32 : i32
      %mul3A_94 = arith.muli %mul3A_93, %sub3A_92 : i32
      %add3A_95 = arith.addi %add3A, %mul3A_94 : i32
      %lt3A_96 = arith.constant 781 : i32
      %lt3A_97 = arith.cmpi slt, %add3A_95, %lt3A_96 : i32
      %and3A_98 = arith.andi %ge3A_90, %lt3A_97 : i1
      %convert_element_type3A_99 = arith.extui %and3A_98 : i1 to i32
      %cond3A_100 = arith.constant 0 : i32
      %cond3A_101 = arith.cmpi ne, %convert_element_type3A_99, %cond3A_100 : i32
      scf.if %cond3A_101 {
        %sub3A_110 = arith.constant 2 : i32
        %sub3A_111 = arith.subi %add3A_88, %sub3A_110 : i32
        %mul3A_112 = arith.constant 32 : i32
        %mul3A_113 = arith.muli %mul3A_112, %sub3A_111 : i32
        %add3A_114 = arith.addi %add3A, %mul3A_113 : i32
        %mul3A_115 = arith.constant 128 : i32
        %mul3A_116 = arith.muli %add3A_114, %mul3A_115 : i32
        %dma_wait3A = arith.constant 0 : i32
        %dma_wait3A_117 = tpu.memref_slice %arg6[%mul3A_116, %dma_wait3A] : memref<100000x128xf32, #tpu.memory_space<hbm>> -> memref<128x128xf32, #tpu.memory_space<hbm>>
        %dma_wait3A_118 = arith.constant 0 : i32
        %dma_wait3A_119 = tpu.memref_slice %arg6[%mul3A_116, %dma_wait3A_118] : memref<100000x128xf32, #tpu.memory_space<hbm>> -> memref<128x128xf32, #tpu.memory_space<hbm>>
        tpu.wait_dma2 semaphore(%arg25 : memref<!tpu.dma_semaphore, #tpu.memory_space<semaphore_mem>>) src(%arg19 : memref<128x128xf32, #tpu.memory_space<vmem>>) dst(%dma_wait3A_119 : memref<128x128xf32, #tpu.memory_space<hbm>>)
      } else {
      }
      %mul3A_102 = arith.constant 32 : i32
      %mul3A_103 = arith.muli %mul3A_102, %add3A_88 : i32
      %add3A_104 = arith.addi %add3A, %mul3A_103 : i32
      %lt3A_105 = arith.constant 781 : i32
      %lt3A_106 = arith.cmpi slt, %add3A_104, %lt3A_105 : i32
      %convert_element_type3A_107 = arith.extui %lt3A_106 : i1 to i32
      %cond3A_108 = arith.constant 0 : i32
      %cond3A_109 = arith.cmpi ne, %convert_element_type3A_107, %cond3A_108 : i32
      scf.if %cond3A_109 {
        %mul3A_110 = arith.constant 32 : i32
        %mul3A_111 = arith.muli %mul3A_110, %add3A_88 : i32
        %add3A_112 = arith.addi %add3A, %mul3A_111 : i32
        %mul3A_113 = arith.constant 128 : i32
        %mul3A_114 = arith.muli %add3A_112, %mul3A_113 : i32
        %dma_wait3A = tpu.memref_slice %arg4[%mul3A_114] : memref<100000xi32, #tpu.memory_space<hbm>> -> memref<128xi32, #tpu.memory_space<hbm>>
        %dma_wait3A_115 = tpu.memref_slice %arg4[%mul3A_114] : memref<100000xi32, #tpu.memory_space<hbm>> -> memref<128xi32, #tpu.memory_space<hbm>>
        tpu.wait_dma2 semaphore(%arg21 : memref<!tpu.dma_semaphore, #tpu.memory_space<semaphore_mem>>) src(%dma_wait3A_115 : memref<128xi32, #tpu.memory_space<hbm>>) dst(%arg12 : memref<128xi32, #tpu.memory_space<vmem>>)
        %dma_wait3A_116 = tpu.memref_slice %arg5[%mul3A_114] : memref<100000xi32, #tpu.memory_space<hbm>> -> memref<128xi32, #tpu.memory_space<hbm>>
        %dma_wait3A_117 = tpu.memref_slice %arg5[%mul3A_114] : memref<100000xi32, #tpu.memory_space<hbm>> -> memref<128xi32, #tpu.memory_space<hbm>>
        tpu.wait_dma2 semaphore(%arg21 : memref<!tpu.dma_semaphore, #tpu.memory_space<semaphore_mem>>) src(%dma_wait3A_117 : memref<128xi32, #tpu.memory_space<hbm>>) dst(%arg14 : memref<128xi32, #tpu.memory_space<vmem>>)
        %get3A = arith.constant 0 : index
        %get3A_118 = tpu.vector_load %arg12[%get3A] {strides = array<i32>} : memref<128xi32, #tpu.memory_space<vmem>>, vector<16xi32>,
        %get3A_119 = vector.shape_cast %get3A_118 : vector<16xi32> to vector<16xi32>
        %mul3A_120 = arith.constant 7 : i32
        %mul3A_121 = vector.broadcast %mul3A_120 : i32 to vector<16xi32>
        %mul3A_122 = arith.muli %get3A_119, %mul3A_121 : vector<16xi32>
        %get3A_123 = arith.constant 0 : index
        %get3A_124 = tpu.vector_load %arg14[%get3A_123] {strides = array<i32>} : memref<128xi32, #tpu.memory_space<vmem>>, vector<16xi32>,
        %get3A_125 = vector.shape_cast %get3A_124 : vector<16xi32> to vector<16xi32>
        %add3A_126 = arith.addi %mul3A_122, %get3A_125 : vector<16xi32>
        %swap3A = arith.constant 0 : index
        %swap3A_127 = tpu.vector_load %arg16[%swap3A] {strides = array<i32>} : memref<128xi32, #tpu.memory_space<vmem>>, vector<16xi32>,
        %swap3A_128 = vector.shape_cast %swap3A_127 : vector<16xi32> to vector<16xi32>
        %swap3A_129 = vector.shape_cast %add3A_126 : vector<16xi32> to vector<16xi32>
        tpu.vector_store %arg16[%swap3A], %swap3A_129 {strides = array<i32>} : memref<128xi32, #tpu.memory_space<vmem>>, vector<16xi32>,
        %get3A_130 = arith.constant 16 : index
        %get3A_131 = tpu.vector_load %arg12[%get3A_130] {strides = array<i32>} : memref<128xi32, #tpu.memory_space<vmem>>, vector<16xi32>,
        %get3A_132 = vector.shape_cast %get3A_131 : vector<16xi32> to vector<16xi32>
        %mul3A_133 = arith.constant 7 : i32
        %mul3A_134 = vector.broadcast %mul3A_133 : i32 to vector<16xi32>
        %mul3A_135 = arith.muli %get3A_132, %mul3A_134 : vector<16xi32>
        %get3A_136 = arith.constant 16 : index
        %get3A_137 = tpu.vector_load %arg14[%get3A_136] {strides = array<i32>} : memref<128xi32, #tpu.memory_space<vmem>>, vector<16xi32>,
        %get3A_138 = vector.shape_cast %get3A_137 : vector<16xi32> to vector<16xi32>
        %add3A_139 = arith.addi %mul3A_135, %get3A_138 : vector<16xi32>
        %swap3A_140 = arith.constant 16 : index
        %swap3A_141 = tpu.vector_load %arg16[%swap3A_140] {strides = array<i32>} : memref<128xi32, #tpu.memory_space<vmem>>, vector<16xi32>,
        %swap3A_142 = vector.shape_cast %swap3A_141 : vector<16xi32> to vector<16xi32>
        %swap3A_143 = vector.shape_cast %add3A_139 : vector<16xi32> to vector<16xi32>
        tpu.vector_store %arg16[%swap3A_140], %swap3A_143 {strides = array<i32>} : memref<128xi32, #tpu.memory_space<vmem>>, vector<16xi32>,
        %get3A_144 = arith.constant 32 : index
        %get3A_145 = tpu.vector_load %arg12[%get3A_144] {strides = array<i32>} : memref<128xi32, #tpu.memory_space<vmem>>, vector<16xi32>,
        %get3A_146 = vector.shape_cast %get3A_145 : vector<16xi32> to vector<16xi32>
        %mul3A_147 = arith.constant 7 : i32
        %mul3A_148 = vector.broadcast %mul3A_147 : i32 to vector<16xi32>
        %mul3A_149 = arith.muli %get3A_146, %mul3A_148 : vector<16xi32>
        %get3A_150 = arith.constant 32 : index
        %get3A_151 = tpu.vector_load %arg14[%get3A_150] {strides = array<i32>} : memref<128xi32, #tpu.memory_space<vmem>>, vector<16xi32>,
        %get3A_152 = vector.shape_cast %get3A_151 : vector<16xi32> to vector<16xi32>
        %add3A_153 = arith.addi %mul3A_149, %get3A_152 : vector<16xi32>
        %swap3A_154 = arith.constant 32 : index
        %swap3A_155 = tpu.vector_load %arg16[%swap3A_154] {strides = array<i32>} : memref<128xi32, #tpu.memory_space<vmem>>, vector<16xi32>,
        %swap3A_156 = vector.shape_cast %swap3A_155 : vector<16xi32> to vector<16xi32>
        %swap3A_157 = vector.shape_cast %add3A_153 : vector<16xi32> to vector<16xi32>
        tpu.vector_store %arg16[%swap3A_154], %swap3A_157 {strides = array<i32>} : memref<128xi32, #tpu.memory_space<vmem>>, vector<16xi32>,
        %get3A_158 = arith.constant 48 : index
        %get3A_159 = tpu.vector_load %arg12[%get3A_158] {strides = array<i32>} : memref<128xi32, #tpu.memory_space<vmem>>, vector<16xi32>,
        %get3A_160 = vector.shape_cast %get3A_159 : vector<16xi32> to vector<16xi32>
        %mul3A_161 = arith.constant 7 : i32
        %mul3A_162 = vector.broadcast %mul3A_161 : i32 to vector<16xi32>
        %mul3A_163 = arith.muli %get3A_160, %mul3A_162 : vector<16xi32>
        %get3A_164 = arith.constant 48 : index
        %get3A_165 = tpu.vector_load %arg14[%get3A_164] {strides = array<i32>} : memref<128xi32, #tpu.memory_space<vmem>>, vector<16xi32>,
        %get3A_166 = vector.shape_cast %get3A_165 : vector<16xi32> to vector<16xi32>
        %add3A_167 = arith.addi %mul3A_163, %get3A_166 : vector<16xi32>
        %swap3A_168 = arith.constant 48 : index
        %swap3A_169 = tpu.vector_load %arg16[%swap3A_168] {strides = array<i32>} : memref<128xi32, #tpu.memory_space<vmem>>, vector<16xi32>,
        %swap3A_170 = vector.shape_cast %swap3A_169 : vector<16xi32> to vector<16xi32>
        %swap3A_171 = vector.shape_cast %add3A_167 : vector<16xi32> to vector<16xi32>
        tpu.vector_store %arg16[%swap3A_168], %swap3A_171 {strides = array<i32>} : memref<128xi32, #tpu.memory_space<vmem>>, vector<16xi32>,
        %get3A_172 = arith.constant 64 : index
        %get3A_173 = tpu.vector_load %arg12[%get3A_172] {strides = array<i32>} : memref<128xi32, #tpu.memory_space<vmem>>, vector<16xi32>,
        %get3A_174 = vector.shape_cast %get3A_173 : vector<16xi32> to vector<16xi32>
        %mul3A_175 = arith.constant 7 : i32
        %mul3A_176 = vector.broadcast %mul3A_175 : i32 to vector<16xi32>
        %mul3A_177 = arith.muli %get3A_174, %mul3A_176 : vector<16xi32>
        %get3A_178 = arith.constant 64 : index
        %get3A_179 = tpu.vector_load %arg14[%get3A_178] {strides = array<i32>} : memref<128xi32, #tpu.memory_space<vmem>>, vector<16xi32>,
        %get3A_180 = vector.shape_cast %get3A_179 : vector<16xi32> to vector<16xi32>
        %add3A_181 = arith.addi %mul3A_177, %get3A_180 : vector<16xi32>
        %swap3A_182 = arith.constant 64 : index
        %swap3A_183 = tpu.vector_load %arg16[%swap3A_182] {strides = array<i32>} : memref<128xi32, #tpu.memory_space<vmem>>, vector<16xi32>,
        %swap3A_184 = vector.shape_cast %swap3A_183 : vector<16xi32> to vector<16xi32>
        %swap3A_185 = vector.shape_cast %add3A_181 : vector<16xi32> to vector<16xi32>
        tpu.vector_store %arg16[%swap3A_182], %swap3A_185 {strides = array<i32>} : memref<128xi32, #tpu.memory_space<vmem>>, vector<16xi32>,
        %get3A_186 = arith.constant 80 : index
        %get3A_187 = tpu.vector_load %arg12[%get3A_186] {strides = array<i32>} : memref<128xi32, #tpu.memory_space<vmem>>, vector<16xi32>,
        %get3A_188 = vector.shape_cast %get3A_187 : vector<16xi32> to vector<16xi32>
        %mul3A_189 = arith.constant 7 : i32
        %mul3A_190 = vector.broadcast %mul3A_189 : i32 to vector<16xi32>
        %mul3A_191 = arith.muli %get3A_188, %mul3A_190 : vector<16xi32>
        %get3A_192 = arith.constant 80 : index
        %get3A_193 = tpu.vector_load %arg14[%get3A_192] {strides = array<i32>} : memref<128xi32, #tpu.memory_space<vmem>>, vector<16xi32>,
        %get3A_194 = vector.shape_cast %get3A_193 : vector<16xi32> to vector<16xi32>
        %add3A_195 = arith.addi %mul3A_191, %get3A_194 : vector<16xi32>
        %swap3A_196 = arith.constant 80 : index
        %swap3A_197 = tpu.vector_load %arg16[%swap3A_196] {strides = array<i32>} : memref<128xi32, #tpu.memory_space<vmem>>, vector<16xi32>,
        %swap3A_198 = vector.shape_cast %swap3A_197 : vector<16xi32> to vector<16xi32>
        %swap3A_199 = vector.shape_cast %add3A_195 : vector<16xi32> to vector<16xi32>
        tpu.vector_store %arg16[%swap3A_196], %swap3A_199 {strides = array<i32>} : memref<128xi32, #tpu.memory_space<vmem>>, vector<16xi32>,
        %get3A_200 = arith.constant 96 : index
        %get3A_201 = tpu.vector_load %arg12[%get3A_200] {strides = array<i32>} : memref<128xi32, #tpu.memory_space<vmem>>, vector<16xi32>,
        %get3A_202 = vector.shape_cast %get3A_201 : vector<16xi32> to vector<16xi32>
        %mul3A_203 = arith.constant 7 : i32
        %mul3A_204 = vector.broadcast %mul3A_203 : i32 to vector<16xi32>
        %mul3A_205 = arith.muli %get3A_202, %mul3A_204 : vector<16xi32>
        %get3A_206 = arith.constant 96 : index
        %get3A_207 = tpu.vector_load %arg14[%get3A_206] {strides = array<i32>} : memref<128xi32, #tpu.memory_space<vmem>>, vector<16xi32>,
        %get3A_208 = vector.shape_cast %get3A_207 : vector<16xi32> to vector<16xi32>
        %add3A_209 = arith.addi %mul3A_205, %get3A_208 : vector<16xi32>
        %swap3A_210 = arith.constant 96 : index
        %swap3A_211 = tpu.vector_load %arg16[%swap3A_210] {strides = array<i32>} : memref<128xi32, #tpu.memory_space<vmem>>, vector<16xi32>,
        %swap3A_212 = vector.shape_cast %swap3A_211 : vector<16xi32> to vector<16xi32>
        %swap3A_213 = vector.shape_cast %add3A_209 : vector<16xi32> to vector<16xi32>
        tpu.vector_store %arg16[%swap3A_210], %swap3A_213 {strides = array<i32>} : memref<128xi32, #tpu.memory_space<vmem>>, vector<16xi32>,
        %get3A_214 = arith.constant 112 : index
        %get3A_215 = tpu.vector_load %arg12[%get3A_214] {strides = array<i32>} : memref<128xi32, #tpu.memory_space<vmem>>, vector<16xi32>,
        %get3A_216 = vector.shape_cast %get3A_215 : vector<16xi32> to vector<16xi32>
        %mul3A_217 = arith.constant 7 : i32
        %mul3A_218 = vector.broadcast %mul3A_217 : i32 to vector<16xi32>
        %mul3A_219 = arith.muli %get3A_216, %mul3A_218 : vector<16xi32>
        %get3A_220 = arith.constant 112 : index
        %get3A_221 = tpu.vector_load %arg14[%get3A_220] {strides = array<i32>} : memref<128xi32, #tpu.memory_space<vmem>>, vector<16xi32>,
        %get3A_222 = vector.shape_cast %get3A_221 : vector<16xi32> to vector<16xi32>
        %add3A_223 = arith.addi %mul3A_219, %get3A_222 : vector<16xi32>
        %swap3A_224 = arith.constant 112 : index
        %swap3A_225 = tpu.vector_load %arg16[%swap3A_224] {strides = array<i32>} : memref<128xi32, #tpu.memory_space<vmem>>, vector<16xi32>,
        %swap3A_226 = vector.shape_cast %swap3A_225 : vector<16xi32> to vector<16xi32>
        %swap3A_227 = vector.shape_cast %add3A_223 : vector<16xi32> to vector<16xi32>
        tpu.vector_store %arg16[%swap3A_224], %swap3A_227 {strides = array<i32>} : memref<128xi32, #tpu.memory_space<vmem>>, vector<16xi32>,
        %add3A_228 = arith.constant 2 : i32
        %add3A_229 = arith.addi %add3A_88, %add3A_228 : i32
        %mul3A_230 = arith.constant 32 : i32
        %mul3A_231 = arith.muli %mul3A_230, %add3A_229 : i32
        %add3A_232 = arith.addi %add3A, %mul3A_231 : i32
        %lt3A_233 = arith.constant 781 : i32
        %lt3A_234 = arith.cmpi slt, %add3A_232, %lt3A_233 : i32
        %convert_element_type3A_235 = arith.extui %lt3A_234 : i1 to i32
        %cond3A_236 = arith.constant 0 : i32
        %cond3A_237 = arith.cmpi ne, %convert_element_type3A_235, %cond3A_236 : i32
        scf.if %cond3A_237 {
          %add3A_253 = arith.constant 2 : i32
          %add3A_254 = arith.addi %add3A_88, %add3A_253 : i32
          %mul3A_255 = arith.constant 32 : i32
          %mul3A_256 = arith.muli %mul3A_255, %add3A_254 : i32
          %add3A_257 = arith.addi %add3A, %mul3A_256 : i32
          %mul3A_258 = arith.constant 128 : i32
          %mul3A_259 = arith.muli %add3A_257, %mul3A_258 : i32
          %dma_start3A_260 = tpu.memref_slice %arg4[%mul3A_259] : memref<100000xi32, #tpu.memory_space<hbm>> -> memref<128xi32, #tpu.memory_space<hbm>>
          %dma_start3A_261 = tpu.memref_slice %arg4[%mul3A_259] : memref<100000xi32, #tpu.memory_space<hbm>> -> memref<128xi32, #tpu.memory_space<hbm>>
          tpu.enqueue_dma source(%dma_start3A_261 : memref<128xi32, #tpu.memory_space<hbm>>) target(%arg12 : memref<128xi32, #tpu.memory_space<vmem>>) target_semaphore(%arg21 : memref<!tpu.dma_semaphore, #tpu.memory_space<semaphore_mem>>)
          %dma_start3A_262 = tpu.memref_slice %arg5[%mul3A_259] : memref<100000xi32, #tpu.memory_space<hbm>> -> memref<128xi32, #tpu.memory_space<hbm>>
          %dma_start3A_263 = tpu.memref_slice %arg5[%mul3A_259] : memref<100000xi32, #tpu.memory_space<hbm>> -> memref<128xi32, #tpu.memory_space<hbm>>
          tpu.enqueue_dma source(%dma_start3A_263 : memref<128xi32, #tpu.memory_space<hbm>>) target(%arg14 : memref<128xi32, #tpu.memory_space<vmem>>) target_semaphore(%arg21 : memref<!tpu.dma_semaphore, #tpu.memory_space<semaphore_mem>>)
        } else {
        }
        %mul3A_238 = arith.constant 32 : i32
        %mul3A_239 = arith.muli %mul3A_238, %add3A_88 : i32
        %add3A_240 = arith.addi %add3A, %mul3A_239 : i32
        %mul3A_241 = arith.constant 128 : i32
        %mul3A_242 = arith.muli %add3A_240, %mul3A_241 : i32
        %dma_start3A_243 = arith.constant 0 : i32
        %dma_start3A_244 = arith.constant 0 : i32
        %dma_start3A_245 = tpu.memref_slice %arg7[%dma_start3A_243, %dma_start3A_244] : memref<128x128xf32, #tpu.memory_space<vmem_shared>> -> memref<128x128xf32, #tpu.memory_space<vmem_shared>>
        tpu.enqueue_indirect_dma source(%dma_start3A_245 : memref<128x128xf32, #tpu.memory_space<vmem_shared>>) target(%arg19 : memref<128x128xf32, #tpu.memory_space<vmem>>) offsets(%arg16 : memref<128xi32, #tpu.memory_space<vmem>>) semaphore(%arg23 : memref<!tpu.dma_semaphore, #tpu.memory_space<semaphore_mem>>)
        %dma_wait3A_246 = arith.constant 0 : i32
        %dma_wait3A_247 = arith.constant 0 : i32
        %dma_wait3A_248 = tpu.memref_slice %arg7[%dma_wait3A_246, %dma_wait3A_247] : memref<128x128xf32, #tpu.memory_space<vmem_shared>> -> memref<128x128xf32, #tpu.memory_space<vmem_shared>>
        tpu.wait_indirect_dma semaphore(%arg23 : memref<!tpu.dma_semaphore, #tpu.memory_space<semaphore_mem>>) src(%dma_wait3A_248 : memref<128x128xf32, #tpu.memory_space<vmem_shared>>) dst(%arg19 : memref<128x128xf32, #tpu.memory_space<vmem>>)
        %dma_start3A_249 = arith.constant 0 : i32
        %dma_start3A_250 = tpu.memref_slice %arg6[%mul3A_242, %dma_start3A_249] : memref<100000x128xf32, #tpu.memory_space<hbm>> -> memref<128x128xf32, #tpu.memory_space<hbm>>
        %dma_start3A_251 = arith.constant 0 : i32
        %dma_start3A_252 = tpu.memref_slice %arg6[%mul3A_242, %dma_start3A_251] : memref<100000x128xf32, #tpu.memory_space<hbm>> -> memref<128x128xf32, #tpu.memory_space<hbm>>
        tpu.enqueue_dma source(%arg19 : memref<128x128xf32, #tpu.memory_space<vmem>>) target(%dma_start3A_252 : memref<128x128xf32, #tpu.memory_space<hbm>>) target_semaphore(%arg25 : memref<!tpu.dma_semaphore, #tpu.memory_space<semaphore_mem>>)
      } else {
      }
    }
    %scan3A_50 = arith.constant 13 : i32
    %add3A_51 = arith.constant 768 : i32
    %add3A_52 = arith.addi %add3A, %add3A_51 : i32
    %lt3A_53 = arith.constant 781 : i32
    %lt3A_54 = arith.cmpi slt, %add3A_52, %lt3A_53 : i32
    %convert_element_type3A = arith.extui %lt3A_54 : i1 to i32
    %cond3A = arith.constant 0 : i32
    %cond3A_55 = arith.cmpi ne, %convert_element_type3A, %cond3A : i32
    scf.if %cond3A_55 {
      %add3A_61 = arith.constant 768 : i32
      %add3A_62 = arith.addi %add3A, %add3A_61 : i32
      %mul3A_63 = arith.constant 128 : i32
      %mul3A_64 = arith.muli %add3A_62, %mul3A_63 : i32
      %dma_wait3A = arith.constant 0 : i32
      %dma_wait3A_65 = tpu.memref_slice %arg6[%mul3A_64, %dma_wait3A] : memref<100000x128xf32, #tpu.memory_space<hbm>> -> memref<128x128xf32, #tpu.memory_space<hbm>>
      %dma_wait3A_66 = arith.constant 0 : i32
      %dma_wait3A_67 = tpu.memref_slice %arg6[%mul3A_64, %dma_wait3A_66] : memref<100000x128xf32, #tpu.memory_space<hbm>> -> memref<128x128xf32, #tpu.memory_space<hbm>>
      tpu.wait_dma2 semaphore(%arg24 : memref<!tpu.dma_semaphore, #tpu.memory_space<semaphore_mem>>) src(%arg18 : memref<128x128xf32, #tpu.memory_space<vmem>>) dst(%dma_wait3A_67 : memref<128x128xf32, #tpu.memory_space<hbm>>)
    } else {
    }
    %eq3A_56 = arith.constant 13 : i32
    %eq3A_57 = arith.cmpi eq, %add3A, %eq3A_56 : i32
    %convert_element_type3A_58 = arith.extui %eq3A_57 : i1 to i32
    %cond3A_59 = arith.constant 0 : i32
    %cond3A_60 = arith.cmpi ne, %convert_element_type3A_58, %cond3A_59 : i32
    scf.if %cond3A_60 {
      "tpu.region"() ({
        %run_scoped3A = tpu.sem_alloc : memref<!tpu.dma_semaphore, #tpu.memory_space<semaphore_mem>>
        %dma_start3A_98 = arith.constant 0 : i32
        %dma_start3A_99 = tpu.memref_slice %arg11[%dma_start3A_98] : memref<128xi32, #tpu.memory_space<vmem>> -> memref<32xi32, #tpu.memory_space<vmem>>
        %dma_start3A_100 = arith.constant 99968 : i32
        %dma_start3A_101 = tpu.memref_slice %arg4[%dma_start3A_100] : memref<100000xi32, #tpu.memory_space<hbm>> -> memref<32xi32, #tpu.memory_space<hbm>>
        %dma_start3A_102 = arith.constant 0 : i32
        %dma_start3A_103 = tpu.memref_slice %arg11[%dma_start3A_102] : memref<128xi32, #tpu.memory_space<vmem>> -> memref<32xi32, #tpu.memory_space<vmem>>
        %dma_start3A_104 = arith.constant 99968 : i32
        %dma_start3A_105 = tpu.memref_slice %arg4[%dma_start3A_104] : memref<100000xi32, #tpu.memory_space<hbm>> -> memref<32xi32, #tpu.memory_space<hbm>>
        tpu.enqueue_dma source(%dma_start3A_105 : memref<32xi32, #tpu.memory_space<hbm>>) target(%dma_start3A_103 : memref<32xi32, #tpu.memory_space<vmem>>) target_semaphore(%run_scoped3A : memref<!tpu.dma_semaphore, #tpu.memory_space<semaphore_mem>>)
        %dma_wait3A_106 = arith.constant 0 : i32
        %dma_wait3A_107 = tpu.memref_slice %arg11[%dma_wait3A_106] : memref<128xi32, #tpu.memory_space<vmem>> -> memref<32xi32, #tpu.memory_space<vmem>>
        %dma_wait3A_108 = arith.constant 99968 : i32
        %dma_wait3A_109 = tpu.memref_slice %arg4[%dma_wait3A_108] : memref<100000xi32, #tpu.memory_space<hbm>> -> memref<32xi32, #tpu.memory_space<hbm>>
        %dma_wait3A_110 = arith.constant 0 : i32
        %dma_wait3A_111 = tpu.memref_slice %arg11[%dma_wait3A_110] : memref<128xi32, #tpu.memory_space<vmem>> -> memref<32xi32, #tpu.memory_space<vmem>>
        %dma_wait3A_112 = arith.constant 99968 : i32
        %dma_wait3A_113 = tpu.memref_slice %arg4[%dma_wait3A_112] : memref<100000xi32, #tpu.memory_space<hbm>> -> memref<32xi32, #tpu.memory_space<hbm>>
        tpu.wait_dma2 semaphore(%run_scoped3A : memref<!tpu.dma_semaphore, #tpu.memory_space<semaphore_mem>>) src(%dma_wait3A_113 : memref<32xi32, #tpu.memory_space<hbm>>) dst(%dma_wait3A_111 : memref<32xi32, #tpu.memory_space<vmem>>)
        tpu.yield
      }) : () -> ()
      "tpu.region"() ({
        %run_scoped3A = tpu.sem_alloc : memref<!tpu.dma_semaphore, #tpu.memory_space<semaphore_mem>>
        %dma_start3A_98 = arith.constant 0 : i32
        %dma_start3A_99 = tpu.memref_slice %arg13[%dma_start3A_98] : memref<128xi32, #tpu.memory_space<vmem>> -> memref<32xi32, #tpu.memory_space<vmem>>
        %dma_start3A_100 = arith.constant 99968 : i32
        %dma_start3A_101 = tpu.memref_slice %arg5[%dma_start3A_100] : memref<100000xi32, #tpu.memory_space<hbm>> -> memref<32xi32, #tpu.memory_space<hbm>>
        %dma_start3A_102 = arith.constant 0 : i32
        %dma_start3A_103 = tpu.memref_slice %arg13[%dma_start3A_102] : memref<128xi32, #tpu.memory_space<vmem>> -> memref<32xi32, #tpu.memory_space<vmem>>
        %dma_start3A_104 = arith.constant 99968 : i32
        %dma_start3A_105 = tpu.memref_slice %arg5[%dma_start3A_104] : memref<100000xi32, #tpu.memory_space<hbm>> -> memref<32xi32, #tpu.memory_space<hbm>>
        tpu.enqueue_dma source(%dma_start3A_105 : memref<32xi32, #tpu.memory_space<hbm>>) target(%dma_start3A_103 : memref<32xi32, #tpu.memory_space<vmem>>) target_semaphore(%run_scoped3A : memref<!tpu.dma_semaphore, #tpu.memory_space<semaphore_mem>>)
        %dma_wait3A_106 = arith.constant 0 : i32
        %dma_wait3A_107 = tpu.memref_slice %arg13[%dma_wait3A_106] : memref<128xi32, #tpu.memory_space<vmem>> -> memref<32xi32, #tpu.memory_space<vmem>>
        %dma_wait3A_108 = arith.constant 99968 : i32
        %dma_wait3A_109 = tpu.memref_slice %arg5[%dma_wait3A_108] : memref<100000xi32, #tpu.memory_space<hbm>> -> memref<32xi32, #tpu.memory_space<hbm>>
        %dma_wait3A_110 = arith.constant 0 : i32
        %dma_wait3A_111 = tpu.memref_slice %arg13[%dma_wait3A_110] : memref<128xi32, #tpu.memory_space<vmem>> -> memref<32xi32, #tpu.memory_space<vmem>>
        %dma_wait3A_112 = arith.constant 99968 : i32
        %dma_wait3A_113 = tpu.memref_slice %arg5[%dma_wait3A_112] : memref<100000xi32, #tpu.memory_space<hbm>> -> memref<32xi32, #tpu.memory_space<hbm>>
        tpu.wait_dma2 semaphore(%run_scoped3A : memref<!tpu.dma_semaphore, #tpu.memory_space<semaphore_mem>>) src(%dma_wait3A_113 : memref<32xi32, #tpu.memory_space<hbm>>) dst(%dma_wait3A_111 : memref<32xi32, #tpu.memory_space<vmem>>)
        tpu.yield
      }) : () -> ()
      %get3A = arith.constant 0 : index
      %get3A_61 = tpu.vector_load %arg11[%get3A] {strides = array<i32>} : memref<128xi32, #tpu.memory_space<vmem>>, vector<16xi32>,
      %get3A_62 = vector.shape_cast %get3A_61 : vector<16xi32> to vector<16xi32>
      %mul3A_63 = arith.constant 7 : i32
      %mul3A_64 = vector.broadcast %mul3A_63 : i32 to vector<16xi32>
      %mul3A_65 = arith.muli %get3A_62, %mul3A_64 : vector<16xi32>
      %get3A_66 = arith.constant 0 : index
      %get3A_67 = tpu.vector_load %arg13[%get3A_66] {strides = array<i32>} : memref<128xi32, #tpu.memory_space<vmem>>, vector<16xi32>,
      %get3A_68 = vector.shape_cast %get3A_67 : vector<16xi32> to vector<16xi32>
      %add3A_69 = arith.addi %mul3A_65, %get3A_68 : vector<16xi32>
      %swap3A = arith.constant 0 : index
      %swap3A_70 = tpu.vector_load %arg17[%swap3A] {strides = array<i32>} : memref<32xi32, #tpu.memory_space<vmem>>, vector<16xi32>,
      %swap3A_71 = vector.shape_cast %swap3A_70 : vector<16xi32> to vector<16xi32>
      %swap3A_72 = vector.shape_cast %add3A_69 : vector<16xi32> to vector<16xi32>
      tpu.vector_store %arg17[%swap3A], %swap3A_72 {strides = array<i32>} : memref<32xi32, #tpu.memory_space<vmem>>, vector<16xi32>,
      %get3A_73 = arith.constant 16 : index
      %get3A_74 = tpu.vector_load %arg11[%get3A_73] {strides = array<i32>} : memref<128xi32, #tpu.memory_space<vmem>>, vector<16xi32>,
      %get3A_75 = vector.shape_cast %get3A_74 : vector<16xi32> to vector<16xi32>
      %mul3A_76 = arith.constant 7 : i32
      %mul3A_77 = vector.broadcast %mul3A_76 : i32 to vector<16xi32>
      %mul3A_78 = arith.muli %get3A_75, %mul3A_77 : vector<16xi32>
      %get3A_79 = arith.constant 16 : index
      %get3A_80 = tpu.vector_load %arg13[%get3A_79] {strides = array<i32>} : memref<128xi32, #tpu.memory_space<vmem>>, vector<16xi32>,
      %get3A_81 = vector.shape_cast %get3A_80 : vector<16xi32> to vector<16xi32>
      %add3A_82 = arith.addi %mul3A_78, %get3A_81 : vector<16xi32>
      %swap3A_83 = arith.constant 16 : index
      %swap3A_84 = tpu.vector_load %arg17[%swap3A_83] {strides = array<i32>} : memref<32xi32, #tpu.memory_space<vmem>>, vector<16xi32>,
      %swap3A_85 = vector.shape_cast %swap3A_84 : vector<16xi32> to vector<16xi32>
      %swap3A_86 = vector.shape_cast %add3A_82 : vector<16xi32> to vector<16xi32>
      tpu.vector_store %arg17[%swap3A_83], %swap3A_86 {strides = array<i32>} : memref<32xi32, #tpu.memory_space<vmem>>, vector<16xi32>,
      %dma_start3A_87 = arith.constant 0 : i32
      %dma_start3A_88 = arith.constant 0 : i32
      %dma_start3A_89 = tpu.memref_slice %arg18[%dma_start3A_87, %dma_start3A_88] : memref<128x128xf32, #tpu.memory_space<vmem>> -> memref<32x128xf32, #tpu.memory_space<vmem>>
      %dma_start3A_90 = arith.constant 0 : i32
      %dma_start3A_91 = arith.constant 0 : i32
      %dma_start3A_92 = tpu.memref_slice %arg7[%dma_start3A_90, %dma_start3A_91] : memref<128x128xf32, #tpu.memory_space<vmem_shared>> -> memref<128x128xf32, #tpu.memory_space<vmem_shared>>
      tpu.enqueue_indirect_dma source(%dma_start3A_92 : memref<128x128xf32, #tpu.memory_space<vmem_shared>>) target(%dma_start3A_89 : memref<32x128xf32, #tpu.memory_space<vmem>>) offsets(%arg17 : memref<32xi32, #tpu.memory_space<vmem>>) semaphore(%arg22 : memref<!tpu.dma_semaphore, #tpu.memory_space<semaphore_mem>>)
      %dma_wait3A = arith.constant 0 : i32
      %dma_wait3A_93 = arith.constant 0 : i32
      %dma_wait3A_94 = tpu.memref_slice %arg18[%dma_wait3A, %dma_wait3A_93] : memref<128x128xf32, #tpu.memory_space<vmem>> -> memref<32x128xf32, #tpu.memory_space<vmem>>
      %dma_wait3A_95 = arith.constant 0 : i32
      %dma_wait3A_96 = arith.constant 0 : i32
      %dma_wait3A_97 = tpu.memref_slice %arg7[%dma_wait3A_95, %dma_wait3A_96] : memref<128x128xf32, #tpu.memory_space<vmem_shared>> -> memref<128x128xf32, #tpu.memory_space<vmem_shared>>
      tpu.wait_indirect_dma semaphore(%arg22 : memref<!tpu.dma_semaphore, #tpu.memory_space<semaphore_mem>>) src(%dma_wait3A_97 : memref<128x128xf32, #tpu.memory_space<vmem_shared>>) dst(%dma_wait3A_94 : memref<32x128xf32, #tpu.memory_space<vmem>>)
      "tpu.region"() ({
        %run_scoped3A = tpu.sem_alloc : memref<!tpu.dma_semaphore, #tpu.memory_space<semaphore_mem>>
        %dma_start3A_98 = arith.constant 0 : i32
        %dma_start3A_99 = arith.constant 0 : i32
        %dma_start3A_100 = tpu.memref_slice %arg18[%dma_start3A_98, %dma_start3A_99] : memref<128x128xf32, #tpu.memory_space<vmem>> -> memref<32x128xf32, #tpu.memory_space<vmem>>
        %dma_start3A_101 = arith.constant 99968 : i32
        %dma_start3A_102 = arith.constant 0 : i32
        %dma_start3A_103 = tpu.memref_slice %arg6[%dma_start3A_101, %dma_start3A_102] : memref<100000x128xf32, #tpu.memory_space<hbm>> -> memref<32x128xf32, #tpu.memory_space<hbm>>
        %dma_start3A_104 = arith.constant 99968 : i32
        %dma_start3A_105 = arith.constant 0 : i32
        %dma_start3A_106 = tpu.memref_slice %arg6[%dma_start3A_104, %dma_start3A_105] : memref<100000x128xf32, #tpu.memory_space<hbm>> -> memref<32x128xf32, #tpu.memory_space<hbm>>
        %dma_start3A_107 = arith.constant 0 : i32
        %dma_start3A_108 = arith.constant 0 : i32
        %dma_start3A_109 = tpu.memref_slice %arg18[%dma_start3A_107, %dma_start3A_108] : memref<128x128xf32, #tpu.memory_space<vmem>> -> memref<32x128xf32, #tpu.memory_space<vmem>>
        tpu.enqueue_dma source(%dma_start3A_109 : memref<32x128xf32, #tpu.memory_space<vmem>>) target(%dma_start3A_106 : memref<32x128xf32, #tpu.memory_space<hbm>>) target_semaphore(%run_scoped3A : memref<!tpu.dma_semaphore, #tpu.memory_space<semaphore_mem>>)
        %dma_wait3A_110 = arith.constant 0 : i32
        %dma_wait3A_111 = arith.constant 0 : i32
        %dma_wait3A_112 = tpu.memref_slice %arg18[%dma_wait3A_110, %dma_wait3A_111] : memref<128x128xf32, #tpu.memory_space<vmem>> -> memref<32x128xf32, #tpu.memory_space<vmem>>
        %dma_wait3A_113 = arith.constant 99968 : i32
        %dma_wait3A_114 = arith.constant 0 : i32
        %dma_wait3A_115 = tpu.memref_slice %arg6[%dma_wait3A_113, %dma_wait3A_114] : memref<100000x128xf32, #tpu.memory_space<hbm>> -> memref<32x128xf32, #tpu.memory_space<hbm>>
        %dma_wait3A_116 = arith.constant 99968 : i32
        %dma_wait3A_117 = arith.constant 0 : i32
        %dma_wait3A_118 = tpu.memref_slice %arg6[%dma_wait3A_116, %dma_wait3A_117] : memref<100000x128xf32, #tpu.memory_space<hbm>> -> memref<32x128xf32, #tpu.memory_space<hbm>>
        %dma_wait3A_119 = arith.constant 0 : i32
        %dma_wait3A_120 = arith.constant 0 : i32
        %dma_wait3A_121 = tpu.memref_slice %arg18[%dma_wait3A_119, %dma_wait3A_120] : memref<128x128xf32, #tpu.memory_space<vmem>> -> memref<32x128xf32, #tpu.memory_space<vmem>>
        tpu.wait_dma2 semaphore(%run_scoped3A : memref<!tpu.dma_semaphore, #tpu.memory_space<semaphore_mem>>) src(%dma_wait3A_121 : memref<32x128xf32, #tpu.memory_space<vmem>>) dst(%dma_wait3A_118 : memref<32x128xf32, #tpu.memory_space<hbm>>)
        tpu.yield
      }) : () -> ()
    } else {
    }
    return
  }
}

</mosaic_0001>

<sc_bundles>
// kernel: kernel.3.cloned.1.call-start
scs
__scs_entry_jumppad:
0x0: {  	(pc) =	sbr.rel $0x88, $3  }
0x1: {  	(tag) =	ssettag $0x0;
	lr =	simm.s32 $0x1  }
0x2: {  	[smem:$0x3F9D] =	sst lr;
	_ =	strace $0xD0000000  }
0x3: {  	_ = 	snop  }
0x4: {  	_ = 	snop  }
0x5: {  	_ = 	snop  }
0x6: {  	_ = 	snop  }
0x7: {  	_ = 	snop  }
__scs_overlays_trampoline_lowered:
0x8: {  	[smem:$0x3FAC] =	sst s0  }
0x9: {  	[smem:$0x3FAD] =	sst s1  }
0xa: {  	[smem:$0x3FAE] =	sst s2  }
0xb: {  	[smem:$0x3FAF] =	sst s3  }
0xc: {  	[smem:$0x3FB0] =	sst s4  }
0xd: {  	[smem:$0x3FB1] =	sst s5  }
0xe: {  	[smem:$0x3FB2] =	sst s6  }
0xf: {  	[smem:$0x3FB3] =	sst s7  }
0x10: {  	[smem:$0x3FB4] =	sst s8  }
0x11: {  	[smem:$0x3FB5] =	sst s9;
	s0 =	simm.s32 @!p0 $0x0  }
0x12: {  	s1 =	sld [smem:$0x3F9B];
	s0 =	simm.s32 @p0 $0x1  }
0x13: {  	[smem:$0x3FB6] =	sst s0;
	s0 =	simm.s32 @!p1 $0x0  }
0x14: {  	s2 =	sld [smem:$0x3F9A];
	s0 =	simm.s32 @p1 $0x1  }
0x15: {  	[smem:$0x3FB7] =	sst s0;
	s0 =	simm.s32 @!p2 $0x0  }
0x16: {  	s3 =	sld [smem:$0x3FDB];
	s0 =	simm.s32 @p2 $0x1  }
0x17: {  	s4 =	simm.s32 $0x1BF5;
	[smem:$0x3FB9] =	sst s0  }
0x18: {  	s0 =	sld [smem:$0x3F9C];
	_ =	swait.ge [sflag:s4], $0x0  }
0x19: {  	s7 =	sld [smem:$0x3F9D]  }
0x1a: {  	s8 =	sadd.s32 $0xFFFFE003, lr  }
0x1b: {  	s9 =	sadd.s32 $0xFFFFFEF7, lr;
	s5 =	simm.s32 $0xFFFFFFFF;
	p2 =	slt.u32 s8, $0xFFFFF086  }
0x1c: {  	p1 =	slt.u32 s9, $0xF7A;
	s5 =	simm.s32 @!p2 $0x0  }
0x1d: {  	s5 =	simm.s32 @p1 $0x1;
	p0 =	seq.s32 s7, s2  }
0x1e: {  	s7 =	smul.u32 @!p0 $0xF7A, s2;
	p2 =	seq.s32 @!p0 s5, $0x0  }
0x1f: {  	s9 =	smul.u32 $0xF7A, s1;
	s8 =	simm.s32 @!p0 $0x1BF5;
	p2 =	por !p2, p0  }
0x20: {  	[sflag:s8] =	ssyncset.s32 @!p0 $0xFFFFF086;
	s6 =	sadd.s32 @!p0 s3, s7;
	s7 =	simm.s32 @!p0 $0x108  }
0x21: {  	s3 =	sadd.s32 s3, s9;
	s6 =	sadd.s32 @!p0 $0x88, s6;
	s7 =	simm.s32 @p2 $0x1082  }
0x22: {  	[simem:s7], [sflag:s8] =	dma.local @!p0 [hbm:s6], $0xF7A  }
0x23: {  	s9 =	sor.u32 $0xD0000000, s2;
	s6 =	simm.s32 $0x108;
	_ =	swait.ge @!p0 [sflag:s8], $0x0  }
0x24: {  	s3 =	sadd.s32 $0x88, s3;
	s6 =	simm.s32 @!p1 $0x1082;
	[sflag:s4] =	ssyncset.s32 $0xFFFFF086  }
0x25: {  	[simem:s6], [sflag:s4] =	dma.local [hbm:s3], $0xF7A  }
0x26: {  	[smem:$0x3F9D] =	sst s1;
	(tag) =	ssettag s2;
	_ =	strace s9  }
0x27: {  	s1 =	sld [smem:$0x3FAD]  }
0x28: {  	s2 =	sld [smem:$0x3FAE]  }
0x29: {  	s4 =	sld [smem:$0x3FB0]  }
0x2a: {  	p0 =	seq.s32 s5, $0x0;
	s5 =	sld [smem:$0x3FB1]  }
0x2b: {  	s6 =	sld [smem:$0x3FB2]  }
0x2c: {  	s7 =	sld [smem:$0x3FB3]  }
0x2d: {  	s3 =	simm.s32 $0x108;
	s8 =	sld [smem:$0x3FB4]  }
0x2e: {  	s3 =	simm.s32 @!p0 $0x1082;
	s9 =	sld [smem:$0x3FB5]  }
0x2f: {  	lr =	sadd.s32 s0, s3;
	s0 =	sld [smem:$0x3FAC]  }
0x30: {  	s3 =	sld [smem:$0x3FAF]  }
0x31: {  	[smem:$0x3FB8] =	sst s10  }
0x32: {  	s10 =	sld [smem:$0x3FB6];
	_ =	sdelay $0x3  }
0x33: {  	p0 =	seq.s32 s10, $0x1;
	s10 =	sld [smem:$0x3FB8];
	_ =	sdelay $0x3  }
0x34: {  	[smem:$0x3FB8] =	sst s10  }
0x35: {  	s10 =	sld [smem:$0x3FB7];
	_ =	sdelay $0x3  }
0x36: {  	p1 =	seq.s32 s10, $0x1;
	s10 =	sld [smem:$0x3FB8];
	_ =	sdelay $0x3  }
0x37: {  	[smem:$0x3FB8] =	sst s10  }
0x38: {  	s10 =	sld [smem:$0x3FB9]  }
0x39: {  	_ = 	snop;
	(pc) =	sbr.ind lr, $3  }
0x3a: {  	_ = 	snop  }
0x3b: {  	_ = 	snop  }
0x3c: {  	p2 =	seq.s32 s10, $0x1;
	s10 =	sld [smem:$0x3FB8]  }
0x3d: {  	_ =	shalt  }
0x3e: {  	_ =	shalt  }
0x3f: {  	_ =	shalt  }
0x40: {  	_ =	shalt  }
0x41: {  	_ =	shalt  }
0x42: {  	_ =	shalt  }
0x43: {  	_ =	shalt  }
0x44: {  	_ =	shalt  }
0x45: {  	_ =	shalt  }
0x46: {  	_ =	shalt  }
0x47: {  	_ =	shalt  }
0x48: {  	_ =	shalt  }
0x49: {  	_ =	shalt  }
0x4a: {  	_ =	shalt  }
0x4b: {  	_ =	shalt  }
0x4c: {  	_ =	shalt  }
0x4d: {  	_ =	shalt  }
0x4e: {  	_ =	shalt  }
0x4f: {  	_ =	shalt  }
0x50: {  	_ =	shalt  }
0x51: {  	_ =	shalt  }
0x52: {  	_ =	shalt  }
0x53: {  	_ =	shalt  }
0x54: {  	_ =	shalt  }
0x55: {  	_ =	shalt  }
0x56: {  	_ =	shalt  }
0x57: {  	_ =	shalt  }
0x58: {  	_ =	shalt  }
0x59: {  	_ =	shalt  }
0x5a: {  	_ =	shalt  }
0x5b: {  	_ =	shalt  }
0x5c: {  	_ =	shalt  }
0x5d: {  	_ =	shalt  }
0x5e: {  	_ =	shalt  }
0x5f: {  	_ =	shalt  }
0x60: {  	_ =	shalt  }
0x61: {  	_ =	shalt  }
0x62: {  	_ =	shalt  }
0x63: {  	_ =	shalt  }
0x64: {  	_ =	shalt  }
0x65: {  	_ =	shalt  }
0x66: {  	_ =	shalt  }
0x67: {  	_ =	shalt  }
0x68: {  	_ =	shalt  }
0x69: {  	_ =	shalt  }
0x6a: {  	_ =	shalt  }
0x6b: {  	_ =	shalt  }
0x6c: {  	_ =	shalt  }
0x6d: {  	_ =	shalt  }
0x6e: {  	_ =	shalt  }
0x6f: {  	_ =	shalt  }
0x70: {  	_ =	shalt  }
0x71: {  	_ =	shalt  }
0x72: {  	_ =	shalt  }
0x73: {  	_ =	shalt  }
0x74: {  	_ =	shalt  }
0x75: {  	_ =	shalt  }
0x76: {  	_ =	shalt  }
0x77: {  	_ =	shalt  }
0x78: {  	_ =	shalt  }
0x79: {  	_ =	shalt  }
0x7a: {  	_ =	shalt  }
0x7b: {  	_ =	shalt  }
0x7c: {  	_ =	shalt  }
0x7d: {  	_ =	shalt  }
0x7e: {  	_ =	shalt  }
0x7f: {  	_ =	shalt  }
0x80: {  	_ =	shalt  }
0x81: {  	_ =	shalt  }
0x82: {  	_ =	shalt  }
0x83: {  	_ =	shalt  }
0x84: {  	_ =	shalt  }
0x85: {  	_ =	shalt  }
0x86: {  	_ =	shalt  }
0x87: {  	_ =	shalt  }
.Lfunc_end0:
.L_simem_size_0:
called_computation_lowered:
.L_overlay_start_0:
0x88: {  	s2 =	sld [smem:$0x3FD9]  }
0x89: {  	s3 =	sld [smem:$0x3FFE];
	_ =	sdelay $0x1  }
0x8a: {  	s1 =	srdreg.scid  }
0x8b: {  	s0 =	sand.u32 $0x1, s1  }
0x8c: {  	s18 =	sshll.u32 s0, $0xA;
	s2 =	sadd.s32 s3, s2  }
0x8d: {  	s2 =	sadd.s32 s2, s18  }
0x8e: {  	[smem:$0x3FC4] =	sst s2  }
0x8f: {  	_ = 	snop  }
0x90: {  	s2 =	sld [smem:$0x3FC9]  }
0x91: {  	s19 =	sld [smem:$0x3FC8]  }
0x92: {  	s4 =	sld [smem:$0x3FC7]  }
0x93: {  	s5 =	sld [smem:$0x3FC6]  }
0x94: {  	s6 =	sld [smem:$0x3FD0];
	(tm) =	ssettm $0x1  }
0x95: {  	s7 =	sld [smem:$0x3FFB];
	_ =	sdelay $0x3  }
0x96: {  	_ =	strace s7  }
0x97: {  	s7 =	sld [smem:$0x3FFC];
	_ =	sdelay $0x3  }
0x98: {  	_ =	strace s7  }
0x99: {  	s7 =	sld [smem:$0x3FFD];
	_ =	sdelay $0x3  }
0x9a: {  	_ =	strace s7  }
0x9b: {  	_ =	strace $0x8FFFFFFF  }
0x9c: {  	s20 =	sld [smem:$0x3FDB];
	_ =	sdelay $0x1  }
0x9d: {  	s8 =	simm.s32 $_scs_section_size  }
0x9e: {  	s9 =	simm.s32 $_size__tile_overlayer_lowered;
	s10 =	simm.s32 $_tile_overlayer_lowered  }
0x9f: {  	s23 =	simm.s32 $0x1BFF;
	s22 =	sshll.u32 s10, $0x1;
	s7 =	sadd.s32 s8, s20  }
0xa0: {  	s11 =	simm.s32 $0x0;
	s21 =	sshll.u32 s9, $0x1;
	s9 =	sadd.s32 s22, s7  }
0xa1: {  	[timem:s11], [sflag:s23] =	dma.local [hbm:s9], s21  }
0xa2: {  	_ =	swait.ge [sflag:s23], s21  }
0xa3: {  	s8 =	ssub.s32 $0x0, s21;
	[sflag:s23] =	ssyncset.done $0x0  }
0xa4: {  	[sflag:s23] =	ssyncadd.s32 s8;
	_ =	sdelay $0x1  }
0xa5: {  	s24 =	simm.s32 $0x1B8B  }
0xa6: {  	_ =	swait.ge [sflag:s24], $0x1  }
0xa7: {  	[sflag:s24] =	ssyncset.done $0x0  }
0xa8: {  	s25 =	simm.s32 $0x1B8E;
	[sflag:s24] =	ssyncadd.s32 $0xFFFFFFFF  }
0xa9: {  	s26 =	simm.s32 $execute0_lowered;
	[smem:$0x3FD2] =	sst s25  }
0xaa: {  	s8 =	sshll.u32 s26, $0x1;
	_ =	strace $0x80000046;
	[dreg:$0x1] =	wrdreg $0xFFFFFFFF  }
0xab: {  	s28 =	simm.s32 $_size_execute0_lowered;
	s7 =	sadd.s32 s7, s8;
	[dreg:$0x0] =	wrdreg $0x0  }
0xac: {  	s8 =	sshll.u32 s28, $0x1;
	[dreg:$0x2] =	wrdreg s7  }
0xad: {  	[dreg:$0x3] =	wrdreg s8  }
0xae: {  	[dreg:$0x4] =	wrdreg $0xC0  }
0xaf: {  	_ =	task [dreg:s11], $0x5FFFF  }
0xb0: {  	[dreg:$0x1] =	wrdreg $0xFFFFFFFF  }
0xb1: {  	[dreg:$0x0] =	wrdreg $0x60  }
0xb2: {  	[dreg:$0x2] =	wrdreg s4  }
0xb3: {  	[dreg:$0x3] =	wrdreg s5  }
0xb4: {  	[dreg:$0x4] =	wrdreg s2  }
0xb5: {  	[dreg:$0x5] =	wrdreg s19  }
0xb6: {  	[dreg:$0x6] =	wrdreg s6  }
0xb7: {  	[dreg:$0x7] =	wrdreg $0x0  }
0xb8: {  	[dreg:$0x8] =	wrdreg $0x9  }
0xb9: {  	_ =	task.clear_ibuf [dreg:s11], $0x9FFFF;
	_ =	strace $0x90000046  }
0xba: {  	s29 =	simm.s32 $0x9;
	_ =	strace $0x80000048  }
0xbb: {  	_ =	swait.ge [sflag:s29], $0x1  }
0xbc: {  	[sflag:s29] =	ssyncadd.s32 $0xFFFFFFFF  }
0xbd: {  	_ =	strace $0x90000048  }
0xbe: {  	_ =	sfence  }
0xbf: {  	s30 =	sld [smem:$0x0];
	_ =	sdelay $0x2  }
0xc0: {  	s31 =	sshll.u32 s1, $0xD;
	s1 =	sshrl.u32 s1, $0x2  }
0xc1: {  	s3 =	sand.u32 $0x4000, s31;
	s1 =	sadd.s32 s1, s30  }
0xc2: {  	s0 =	sor.u32 s3, s0;
	s1 =	sshll.u32 s1, $0x11  }
0xc3: {  	s0 =	sor.u32 s1, s0  }
0xc4: {  	s0 =	sadd.s32 $0x8F2B, s0  }
0xc5: {  	[sflag:s0] =	ssyncadd.remote.s32 $0x1  }
0xc6: {  	_ =	sfence.sel $0xFFFF  }
0xc7: {  	[dreg:$0x0] =	wrdreg $0xFFFFFFFF;
	(pc) =	sbr.abs _section_cstart, $3  }
0xc8: {  	[dreg:$0x1] =	wrdreg $0xFFFFFFFF  }
0xc9: {  	_ =	task.clear_ibuf [dreg:s11], $0x2FFFF;
	_ =	strace $0x9FFFFFFF  }
0xca: {  	(tm) =	ssettm $0x7FFFFFFF  }
0xcb: {  	_ =	shalt  }
tec
execute0_lowered:
.L_overlay_start_1:
0x0: {  	(tag) =	ssettag $0x1  }
0x1: {  	s0 =	rddreg [dreg:$0x2]  }
0x2: {  	s1 =	rddreg [dreg:$0x3]  }
0x3: {  	s2 =	rddreg [dreg:$0x4]  }
0x4: {  	s4 =	rddreg [dreg:$0x5];
	s3 =	srdreg.scid  }
0x5: {  	s14 =	stileid.u32;
	s5 =	simm.s32 $0x0;
	s28 =	simm.s32 $0x3  }
0x6: {  	s29 =	simm.s32 $0x4;
	s31 =	simm.s32 $0x7;
	s3 =	sand.u32 $0x1, s3  }
0x7: {  	s7 =	sshll.u32 s14, $0x1;
	[smem:$0x7FF] =	sst s5;
	s16 =	sshll.u32 s14, $0xC  }
0x8: {  	s10 =	sshll.u32 s14, $0x3;
	s12 =	sadd.s32 $0x30D0, s0;
	s13 =	sadd.s32 $0x30D0, s1  }
0x9: {  	s18 =	sshll.u32 s14, $0x5;
	s14 =	sadd.s32 $0x186800, s2;
	s6 =	ssub.s32 $0x2, s3  }
0xa: {  	s7 =	sor.u32 s3, s7;
	_ =	strace $0x80000047;
	s17 =	sshrl.u32 s16, $0x2  }
0xb: {  	s19 =	sshll.u32 s3, $0x4;
	s25 =	sadd.s32 s16, s2;
	s26 =	sshll.u32 s3, $0xB  }
0xc: {  	s3 =	simm.s32 $0x80;
	s2 =	simm.s32 $0x1B80;
	s8 =	sshrl.u32 s6, $0x1  }
0xd: {  	s21 =	sshll.u32 s7, $0x4;
	s11 =	sadd.s32 s17, s4;
	s30 =	sor.u32 $0x60, s7  }
0xe: {  	s26 =	sadd.s32 s26, s25;
	p0 =	sgt.u32 s7, $0xC;
	s6 =	ssub.s32 s6, s8  }
0xf: {  	s9 =	sadd.s32 s0, s21;
	s22 =	sor.u32 $0x200, s21;
	s8 =	sadd.s32 s1, s21  }
0x10: {  	p1 =	sne.s32 @p0 s7, $0xD;
	s21 =	simm.s32 $0x2;
	[dreg:$0x7] =	wrdreg s9  }
0x11: {  	[dreg:$0x8] =	wrdreg s8;
	s23 =	sadd.s32 s0, s22;
	s24 =	sadd.s32 s1, s22  }
.Ltmp0:
0x12: {  	s1 =	sadd.s32 s18, s1;
	s15 =	smax.u32 s6, $0x1;
	(pc) =	sbr.rel .LBB2_1-.Ltmp0, $4  }
0x13: {  	s6 =	sadd.s32 $0x1000, s17;
	s0 =	sadd.s32 s18, s0;
	[dreg:$0x9] =	wrdreg s23  }
0x14: {  	p1 =	por p1, !p0;
	s22 =	simm.s32 $0x1A80;
	[dreg:$0xa] =	wrdreg s24  }
0x15: {  	s17 =	sadd.s32 s19, s1;
	s18 =	sadd.s32 s19, s0;
	s1 =	simm.s32 $0x1  }
0x16: {  	s0 =	simm.s32 $0x1A00;
	s23 =	simm.s32 $0x5B80;
	s24 =	simm.s32 $0x0  }
.LBB2_9:
0x17: {  	s7 =	simm.s32 @!p1 $0x0;
	s8 =	simm.s32 @!p1 $0x1800  }
0x18: {  	[tilespmem:s8], [sflag:$0x7] =	stream.linear.gather @!p1 [hbm4b:s12+s7], $0x20, $0x38;
	[tilespmem:$0x9B80] =	vst v63  }
0x19: {  	s8 =	simm.s32 @!p1 $0x7  }
0x1a: {  	_ =	swait.ge @!p1 [sflag:s8], $0x20  }
0x1b: {  	[sflag:s8] =	ssyncset.done @!p1 $0x0  }
0x1c: {  	s9 =	simm.s32 @!p1 $0x1900;
	[sflag:s8] =	ssyncadd.s32 @!p1 $0xFFFFFFE0  }
0x1d: {  	[tilespmem:s9], [sflag:$0x7] =	stream.linear.gather @!p1 [hbm4b:s13+s7], $0x20, $0x38;
	[tilespmem:$0x9B80] =	vst v63  }
0x1e: {  	_ =	swait.ge @!p1 [sflag:s8], $0x20  }
0x1f: {  	[sflag:s8] =	ssyncset.done @!p1 $0x0  }
0x20: {  	[sflag:s8] =	ssyncadd.s32 @!p1 $0xFFFFFFE0  }
0x21: {  	v0 =	vld @!p1 [tilespmem:$0x1800]  }
0x22: {  	v1 =	vld @!p1 [tilespmem:$0x1810]  }
0x23: {  	v2 =	vld @!p1 [tilespmem:$0x1900]  }
0x24: {  	v3 =	vld @!p1 [tilespmem:$0x1910];
	_ =	sdelay $0x1  }
0x25: {  	v0 =	vmul.u32 @!p1 $0x7, v0  }
0x26: {  	v1 =	vmul.u32 @!p1 $0x7, v1  }
0x27: {  	v0 =	vadd.s32 @!p1 v2, v0  }
0x28: {  	[tilespmem:$0x1B00] =	vst @!p1 v0;
	v0 =	vadd.s32 @!p1 v3, v1  }
0x29: {  	s16 =	simm.s32 @!p1 $0x1B00;
	s19 =	simm.s32 @!p1 $0x1B80;
	s9 =	simm.s32 @!p1 $0x20;
	[tilespmem:$0x1B10] =	vst @!p1 v0  }
0x2a: {  	[tilespmem:s19], [sflag:$0x3] =	stream.indirect.gather @!p1 [spmem:s4], $0x80, s16, s9, $0xb8;
	[tilespmem:$0x9B80] =	vst v63  }
0x2b: {  	s9 =	simm.s32 @!p1 $0x3  }
0x2c: {  	_ =	swait.ge @!p1 [sflag:s9], $0x1000  }
0x2d: {  	[sflag:s9] =	ssyncset.done @!p1 $0x0  }
0x2e: {  	s24 =	sadd.s32 $0x1, s24;
	[sflag:s9] =	ssyncadd.s32 @!p1 $0xFFFFF000  }
0x2f: {  	[hbm4b:s14+s7] =	stream.linear.scatter @!p1 [tilespmem:s19], [sflag:$0x7], $0x1000, $0x38;
	[tilespmem:$0x9B80] =	vst v63  }
0x30: {  	p2 =	sne.s32 s24, s15;
	_ =	swait.ge @!p1 [sflag:s8], $0x1000  }
.Ltmp1:
0x31: {  	[sflag:s8] =	ssyncset.done @!p1 $0x0;
	(pc) =	sbr.rel @!p2 .LBB2_10-.Ltmp1, $4  }
0x32: {  	s7 =	simm.s32 @!p0 $0x5;
	[sflag:s8] =	ssyncadd.s32 @!p1 $0xFFFFF000  }
0x33: {  	_ =	swait.ge @!p0 [sflag:s7], $0x4000  }
0x34: {  	[sflag:s7] =	ssyncset.done @!p0 $0x0  }
0x35: {  	[sflag:s7] =	ssyncadd.s32 @!p0 $0xFFFFC000  }
.LBB2_1:
0x36: {  	s7 =	rddreg [dreg:$0x7];
	s8 =	simm.s32 $0x1800  }
0x37: {  	[tilespmem:s8], [sflag:$0x1] =	stream.linear.gather [hbm4b:s7+s5], $0x80, $0x38;
	[tilespmem:$0x9B80] =	vst v63  }
0x38: {  	s16 =	rddreg [dreg:$0x8];
	s19 =	simm.s32 $0x1900  }
0x39: {  	[tilespmem:s19], [sflag:$0x1] =	stream.linear.gather [hbm4b:s16+s5], $0x80, $0x38;
	[tilespmem:$0x9B80] =	vst v63  }
0x3a: {  	s20 =	rddreg [dreg:$0x9];
	s25 =	simm.s32 $0x1880  }
0x3b: {  	[tilespmem:s25], [sflag:$0x2] =	stream.linear.gather [hbm4b:s20+s5], $0x80, $0x38;
	[tilespmem:$0x9B80] =	vst v63  }
0x3c: {  	s9 =	simm.s32 $0x1980;
	s8 =	rddreg [dreg:$0xa];
	s7 =	sadd.s32 $0x0, s10  }
0x3d: {  	[tilespmem:s9], [sflag:$0x2] =	stream.linear.gather [hbm4b:s8+s5], $0x80, $0x38;
	[tilespmem:$0x9B80] =	vst v63  }
0x3e: {  	p2 =	sgt.u32 s7, $0x7D;
	s16 =	rddreg [dreg:$0x0];
	s19 =	simm.s32 $0x400  }
0x3f: {  	[tilespmem:s19], [sflag:$0x3] =	stream.linear.gather [hbm4b:s16+s5], $0x900, $0x38;
	[tilespmem:$0x9B80] =	vst v63  }
0x40: {  	s20 =	rddreg [dreg:$0x1];
	s9 =	simm.s32 $0x1000;
	s16 =	smul.u32 @!p2 $0x25, s7  }
0x41: {  	[tilespmem:s9], [sflag:$0x4] =	stream.linear.gather [hbm4b:s20+s5], $0x380, $0x38;
	[tilespmem:$0x9B80] =	vst v63  }
0x42: {  	s16 =	sshrl.u32 @!p2 s16, $0x8  }
0x43: {  	_ =	swait.ge [sflag:s28], $0x900;
	s7 =	ssub.s32 @!p2 s7, s16  }
0x44: {  	[sflag:s28] =	ssyncset.done $0x0;
	s7 =	sand.u32 @!p2 $0xFE, s7  }
0x45: {  	[sflag:s28] =	ssyncadd.s32 $0xFFFFF700;
	s7 =	sshrl.u32 @!p2 s7, $0x1  }
0x46: {  	_ =	swait.ge [sflag:s29], $0x380;
	s7 =	sadd.s32 @!p2 s16, s7  }
0x47: {  	[sflag:s29] =	ssyncset.done $0x0;
	s7 =	sand.u32 @!p2 $0xFC, s7  }
0x48: {  	[sflag:s29] =	ssyncadd.s32 $0xFFFFFC80;
	s16 =	sshll.u32 @!p2 s7, $0x5;
	p2 =	por p2, p2  }
0x49: {  	v0 =	vld @!p2 [tilespmem:s16+$0x400];
	_ =	sdelay $0x3  }
0x4a: {  	s19 =	simm.s32 $0x1440  }
0x4b: {  	[tilespmem:s19+$0xFFFFFFC0] =	vst @!p2 v0  }
0x4c: {  	v0 =	vld @!p2 [tilespmem:s16+$0x410];
	_ =	sdelay $0x4  }
0x4d: {  	[tilespmem:s19+$0xFFFFFFD0] =	vst @!p2 v0  }
0x4e: {  	v0 =	vld @!p2 [tilespmem:s16+$0x420];
	_ =	sdelay $0x4  }
0x4f: {  	[tilespmem:s19+$0xFFFFFFE0] =	vst @!p2 v0  }
0x50: {  	v0 =	vld @!p2 [tilespmem:s16+$0x430];
	_ =	sdelay $0x2  }
0x51: {  	s25 =	smulhi.u32 $0x24924925, s10;
	_ =	sdelay $0x1  }
0x52: {  	s20 =	ssub.s32 s10, s25;
	[tilespmem:s19+$0xFFFFFFF0] =	vst @!p2 v0  }
0x53: {  	s20 =	sshrl.u32 s20, $0x1;
	v0 =	vld @!p2 [tilespmem:s16+$0x440]  }
0x54: {  	s7 =	sadd.s32 s25, s20  }
0x55: {  	s7 =	sshrl.u32 s7, $0x2  }
0x56: {  	s7 =	smul.u32 $0xFFFFF200, s7  }
0x57: {  	v1 =	vimm.s32 @!p2 $0xA9876543;
	v2 =	vimm.s32 @!p2 $0x210FEDCB  }
0x58: {  	s7 =	sshra.s32 s7, $0x2;
	[tilespmem:s19+$0x0] =	vst @!p2 v0;
	v0 =	vunpack.c.l.s4.s8 @!p2 v1;
	v1 =	vunpack.c.l.s4.s8 @!p2 v2  }
0x59: {  	s7 =	sadd.s32 s7, s6;
	v2 =	vld @!p2 [tilespmem:s16+$0x445]  }
0x5a: {  	v3 =	vld @!p2 [tilespmem:s7+$0x0];
	v0 =	vunpack.c.0.s8.s32 @!p2 v0;
	v1 =	vunpack.c.0.s8.s32 @!p2 v1;
	_ =	sdelay $0x1  }
0x5b: {  	v0 =	vcombine.low @!p2 v1, v0;
	_ =	sdelay $0x1  }
0x5c: {  	v0 =	vand.u32 @!p2 $0xF, v0  }
0x5d: {  	v1 =	vperm.xlane @!p2 v2, v0;
	v0 =	vperm.xlane @!p2 v3, v0  }
0x5e: {  	vm0 =	vmmov @!p2 $0x1f  }
0x5f: {  	v0 =	vsel @!p2 vm0, v1, v0  }
0x60: {  	[tilespmem:s19+$0x10] =	vst @!p2 v0  }
0x61: {  	s20 =	simm.s32 $0x1;
	s25 =	smov.u32 s10;
	s16 =	smov.u32 s6;
	v0 =	vld @!p2 [tilespmem:s7+$0xB]  }
.LBB2_2:
0x62: {  	s8 =	sadd.s32 s20, s10  }
0x63: {  	s20 =	sadd.s32 $0x1, s20;
	p4 =	sgt.u32 s8, $0x7D  }
0x64: {  	p3 =	sne.s32 s20, $0x8;
	s9 =	smul.u32 @!p4 $0x25, s8;
	_ =	sdelay $0x1  }
0x65: {  	s9 =	sshrl.u32 @!p4 s9, $0x8;
	[tilespmem:s19+$0x20] =	vst @!p2 v0  }
0x66: {  	s8 =	ssub.s32 @!p4 s8, s9;
	v0 =	vld @!p2 [tilespmem:s7+$0x1B]  }
0x67: {  	s7 =	sand.u32 @!p4 $0xFE, s8  }
0x68: {  	s7 =	sshrl.u32 @!p4 s7, $0x1  }
0x69: {  	s7 =	sadd.s32 @!p4 s9, s7  }
0x6a: {  	s7 =	sand.u32 @!p4 $0xFC, s7  }
0x6b: {  	s8 =	sshll.u32 @!p4 s7, $0x5;
	[tilespmem:s19+$0x30] =	vst @!p2 v0;
	p2 =	por p4, p4  }
0x6c: {  	v0 =	vld @!p2 [tilespmem:s8+$0x400];
	_ =	sdelay $0x3  }
0x6d: {  	s19 =	sadd.s32 $0x80, s19  }
0x6e: {  	[tilespmem:s19+$0xFFFFFFC0] =	vst @!p2 v0  }
0x6f: {  	v0 =	vld @!p2 [tilespmem:s8+$0x410];
	_ =	sdelay $0x4  }
0x70: {  	[tilespmem:s19+$0xFFFFFFD0] =	vst @!p2 v0  }
0x71: {  	v0 =	vld @!p2 [tilespmem:s8+$0x420];
	_ =	sdelay $0x4  }
0x72: {  	[tilespmem:s19+$0xFFFFFFE0] =	vst @!p2 v0  }
0x73: {  	v0 =	vld @!p2 [tilespmem:s8+$0x430];
	_ =	sdelay $0x1  }
0x74: {  	s25 =	sadd.s32 $0x1, s25  }
0x75: {  	s7 =	smulhi.u32 $0x24924925, s25;
	_ =	sdelay $0x1  }
0x76: {  	s9 =	ssub.s32 s25, s7;
	[tilespmem:s19+$0xFFFFFFF0] =	vst @!p2 v0  }
0x77: {  	s9 =	sshrl.u32 s9, $0x1;
	v0 =	vld @!p2 [tilespmem:s8+$0x440]  }
0x78: {  	s7 =	sadd.s32 s7, s9  }
0x79: {  	s7 =	sshrl.u32 s7, $0x2  }
0x7a: {  	s7 =	smul.u32 $0xFFFFF200, s7  }
0x7b: {  	v1 =	vimm.s32 @!p2 $0xA9876543;
	v2 =	vimm.s32 @!p2 $0x210FEDCB  }
0x7c: {  	s16 =	sadd.s32 $0x80, s16;
	s7 =	sshra.s32 s7, $0x2;
	[tilespmem:s19+$0x0] =	vst @!p2 v0;
	v0 =	vunpack.c.l.s4.s8 @!p2 v1;
	v1 =	vunpack.c.l.s4.s8 @!p2 v2  }
0x7d: {  	s7 =	sadd.s32 s7, s16;
	v2 =	vld @!p2 [tilespmem:s8+$0x445]  }
0x7e: {  	v0 =	vunpack.c.0.s8.s32 @!p2 v0;
	v1 =	vunpack.c.0.s8.s32 @!p2 v1;
	v3 =	vld @!p2 [tilespmem:s7+$0x0];
	_ =	sdelay $0x1  }
0x7f: {  	v0 =	vcombine.low @!p2 v1, v0;
	_ =	sdelay $0x1  }
0x80: {  	v0 =	vand.u32 @!p2 $0xF, v0  }
.Ltmp2:
0x81: {  	v1 =	vperm.xlane @!p2 v2, v0;
	v0 =	vperm.xlane @!p2 v3, v0;
	(pc) =	sbr.rel @p3 .LBB2_2-.Ltmp2, $4  }
0x82: {  	vm0 =	vmmov @!p2 $0x1f  }
0x83: {  	v0 =	vsel @!p2 vm0, v1, v0  }
0x84: {  	[tilespmem:s19+$0x10] =	vst @!p2 v0  }
0x85: {  	v0 =	vld @!p2 [tilespmem:s7+$0xB]  }
0x86: {  	_ =	sdelay $0x3  }
0x87: {  	[tilespmem:s19+$0x20] =	vst @!p2 v0  }
0x88: {  	v0 =	vld @!p2 [tilespmem:s7+$0x1B];
	_ =	sdelay $0x4  }
0x89: {  	s25 =	simm.s32 $0x1400;
	[tilespmem:s19+$0x30] =	vst @!p2 v0  }
0x8a: {  	[spmem:s11] =	stream.linear.scatter [tilespmem:s25], [sflag:$0x7], $0x400, $0x38;
	[tilespmem:$0x9B80] =	vst v63  }
.Ltmp3:
0x8b: {  	_ =	swait.ge [sflag:s31], $0x400;
	(pc) =	sbr.rel .LBB2_4-.Ltmp3, $4  }
0x8c: {  	[sflag:s31] =	ssyncset.done $0x0  }
0x8d: {  	[sflag:s31] =	ssyncadd.s32 $0xFFFFFC00  }
0x8e: {  	[bflag:$0x0] =	sbarrier.arrive $0xFFFF  }
0x8f: {  	s20 =	smov.u32 s26;
	s19 =	smov.u32 s30;
	s25 =	simm.s32 $0x0  }
.LBB2_8:
0x90: {  	s25 =	sadd.s32 $0x400, s25  }
0x91: {  	p2 =	sne.s32 s25, $0x3400  }
.Ltmp4:
0x92: {  	_ = 	snop;
	(pc) =	sbr.rel @!p2 .LBB2_9-.Ltmp4, $2  }
0x93: {  	_ =	sdelay $0x2  }
0x94: {  	s19 =	sadd.s32 $0x40, s19;
	s20 =	sadd.s32 $0x20000, s20  }
.LBB2_4:
0x95: {  	s8 =	sadd.s32 $0xFFFFFFA0, s19  }
0x96: {  	p3 =	sgt.u32 s8, $0x30C  }
.Ltmp5:
0x97: {  	p2 =	seq.s32 s25, $0x0;
	(pc) =	sbr.rel @p3 .LBB2_6-.Ltmp5, $4  }
0x98: {  	s7 =	simm.s32 @!p2 $0x5  }
0x99: {  	_ =	swait.ge @!p2 [sflag:s7], $0x4000  }
0x9a: {  	[sflag:s7] =	ssyncset.done @!p2 $0x0  }
0x9b: {  	[sflag:s7] =	ssyncadd.s32 @!p2 $0xFFFFC000  }
0x9c: {  	_ =	swait.ge [sflag:s1], $0x80  }
0x9d: {  	[sflag:s1] =	ssyncset.done $0x0  }
0x9e: {  	[sflag:s1] =	ssyncadd.s32 $0xFFFFFF80  }
0x9f: {  	_ =	swait.ge [sflag:s1], $0x80  }
0xa0: {  	[sflag:s1] =	ssyncset.done $0x0  }
0xa1: {  	[sflag:s1] =	ssyncadd.s32 $0xFFFFFF80  }
0xa2: {  	v0 =	vld [tilespmem:$0x1800]  }
0xa3: {  	v1 =	vld [tilespmem:$0x1900]  }
0xa4: {  	v2 =	vld [tilespmem:$0x1810]  }
0xa5: {  	v3 =	vld [tilespmem:$0x1910]  }
0xa6: {  	v4 =	vld [tilespmem:$0x1820]  }
0xa7: {  	v5 =	vld [tilespmem:$0x1920]  }
0xa8: {  	v6 =	vld [tilespmem:$0x1830]  }
0xa9: {  	v7 =	vld [tilespmem:$0x1930]  }
0xaa: {  	v8 =	vld [tilespmem:$0x1840]  }
0xab: {  	v9 =	vld [tilespmem:$0x1940]  }
0xac: {  	v10 =	vld [tilespmem:$0x1850]  }
0xad: {  	v11 =	vld [tilespmem:$0x1950];
	v0 =	vmul.u32 $0x7, v0  }
0xae: {  	v12 =	vld [tilespmem:$0x1860];
	v2 =	vmul.u32 $0x7, v2  }
0xaf: {  	v49 =	vld [tilespmem:$0x1870];
	v48 =	vmul.u32 $0x7, v4;
	v0 =	vadd.s32 v1, v0  }
0xb0: {  	v52 =	vld [tilespmem:$0x1960];
	v51 =	vmul.u32 $0x7, v6;
	v50 =	vadd.s32 v3, v2;
	[tilespmem:$0x1A00] =	vst v0  }
0xb1: {  	v55 =	vld [tilespmem:$0x1970];
	v54 =	vmul.u32 $0x7, v8;
	v53 =	vadd.s32 v5, v48;
	[tilespmem:$0x1A10] =	vst v50  }
0xb2: {  	v57 =	vmul.u32 $0x7, v10;
	v56 =	vadd.s32 v7, v51;
	[tilespmem:$0x1A20] =	vst v53  }
0xb3: {  	v59 =	vmul.u32 $0x7, v12;
	v58 =	vadd.s32 v9, v54;
	[tilespmem:$0x1A30] =	vst v56  }
0xb4: {  	s7 =	sadd.s32 $0xFFFFFFE0, s19;
	v61 =	vmul.u32 $0x7, v49;
	v60 =	vadd.s32 v11, v57;
	[tilespmem:$0x1A40] =	vst v58  }
0xb5: {  	p3 =	sgt.u32 s7, $0x30C;
	v62 =	vadd.s32 v52, v59;
	[tilespmem:$0x1A50] =	vst v60  }
0xb6: {  	s7 =	sadd.s32 @!p3 s25, s18;
	v63 =	vadd.s32 v55, v61;
	[tilespmem:$0x1A60] =	vst v62  }
0xb7: {  	s8 =	simm.s32 @!p3 $0x0;
	s9 =	simm.s32 @!p3 $0x1800;
	s7 =	sadd.s32 @!p3 $0x400, s7;
	[tilespmem:$0x1A70] =	vst v63  }
0xb8: {  	[tilespmem:s9], [sflag:$0x1] =	stream.linear.gather @!p3 [hbm4b:s7+s8], $0x80, $0x38;
	[tilespmem:$0x9B80] =	vst v63  }
0xb9: {  	s7 =	sadd.s32 @!p3 s25, s17  }
0xba: {  	s9 =	simm.s32 @!p3 $0x1900;
	s7 =	sadd.s32 @!p3 $0x400, s7  }
0xbb: {  	[tilespmem:s9], [sflag:$0x1] =	stream.linear.gather @!p3 [hbm4b:s7+s8], $0x80, $0x38;
	[tilespmem:$0x9B80] =	vst v63  }
0xbc: {  	_ = 	snop  }
0xbd: {  	[tilespmem:s2], [sflag:$0x3] =	stream.indirect.gather [spmem:s4], $0x80, s0, s3, $0xb8;
	[tilespmem:$0x9B80] =	vst v63  }
0xbe: {  	_ =	swait.ge [sflag:s28], $0x4000  }
0xbf: {  	[sflag:s28] =	ssyncset.done $0x0  }
0xc0: {  	[sflag:s28] =	ssyncadd.s32 $0xFFFFC000  }
0xc1: {  	[hbm4b:s20+s5] =	stream.linear.scatter [tilespmem:s2], [sflag:$0x5], $0x4000, $0x38;
	[tilespmem:$0x9B80] =	vst v63  }
.LBB2_6:
0xc2: {  	s8 =	sadd.s32 $0xFFFFFFC0, s19  }
0xc3: {  	p3 =	sgt.u32 s8, $0x30C  }
.Ltmp6:
0xc4: {  	_ = 	snop;
	(pc) =	sbr.rel @p3 .LBB2_8-.Ltmp6, $4  }
0xc5: {  	s7 =	simm.s32 @!p2 $0x6  }
0xc6: {  	_ =	swait.ge @!p2 [sflag:s7], $0x4000  }
0xc7: {  	[sflag:s7] =	ssyncset.done @!p2 $0x0  }
0xc8: {  	[sflag:s7] =	ssyncadd.s32 @!p2 $0xFFFFC000  }
0xc9: {  	_ =	swait.ge [sflag:s21], $0x80  }
0xca: {  	[sflag:s21] =	ssyncset.done $0x0  }
0xcb: {  	[sflag:s21] =	ssyncadd.s32 $0xFFFFFF80  }
0xcc: {  	_ =	swait.ge [sflag:s21], $0x80  }
0xcd: {  	[sflag:s21] =	ssyncset.done $0x0  }
0xce: {  	[sflag:s21] =	ssyncadd.s32 $0xFFFFFF80  }
0xcf: {  	v0 =	vld [tilespmem:$0x1880]  }
0xd0: {  	v1 =	vld [tilespmem:$0x1980]  }
0xd1: {  	v2 =	vld [tilespmem:$0x1890]  }
0xd2: {  	v3 =	vld [tilespmem:$0x1990]  }
0xd3: {  	v4 =	vld [tilespmem:$0x18A0]  }
0xd4: {  	v5 =	vld [tilespmem:$0x19A0]  }
0xd5: {  	v6 =	vld [tilespmem:$0x18B0]  }
0xd6: {  	v7 =	vld [tilespmem:$0x19B0]  }
0xd7: {  	v8 =	vld [tilespmem:$0x18C0]  }
0xd8: {  	v9 =	vld [tilespmem:$0x19C0]  }
0xd9: {  	v10 =	vld [tilespmem:$0x18D0]  }
0xda: {  	v11 =	vld [tilespmem:$0x19D0];
	v0 =	vmul.u32 $0x7, v0  }
0xdb: {  	v12 =	vld [tilespmem:$0x18E0];
	v2 =	vmul.u32 $0x7, v2  }
0xdc: {  	v49 =	vld [tilespmem:$0x18F0];
	v48 =	vmul.u32 $0x7, v4;
	v0 =	vadd.s32 v1, v0  }
0xdd: {  	v52 =	vld [tilespmem:$0x19E0];
	v51 =	vmul.u32 $0x7, v6;
	v50 =	vadd.s32 v3, v2;
	[tilespmem:$0x1A80] =	vst v0  }
0xde: {  	v55 =	vld [tilespmem:$0x19F0];
	v54 =	vmul.u32 $0x7, v8;
	v53 =	vadd.s32 v5, v48;
	[tilespmem:$0x1A90] =	vst v50  }
0xdf: {  	v57 =	vmul.u32 $0x7, v10;
	v56 =	vadd.s32 v7, v51;
	[tilespmem:$0x1AA0] =	vst v53  }
0xe0: {  	v59 =	vmul.u32 $0x7, v12;
	v58 =	vadd.s32 v9, v54;
	[tilespmem:$0x1AB0] =	vst v56  }
0xe1: {  	v61 =	vmul.u32 $0x7, v49;
	v60 =	vadd.s32 v11, v57;
	[tilespmem:$0x1AC0] =	vst v58  }
0xe2: {  	p2 =	sgt.u32 s19, $0x30C;
	v62 =	vadd.s32 v52, v59;
	[tilespmem:$0x1AD0] =	vst v60  }
0xe3: {  	s7 =	sadd.s32 @!p2 s25, s18;
	v63 =	vadd.s32 v55, v61;
	[tilespmem:$0x1AE0] =	vst v62  }
0xe4: {  	s8 =	simm.s32 @!p2 $0x0;
	s9 =	simm.s32 @!p2 $0x1880;
	s7 =	sadd.s32 @!p2 $0x600, s7;
	[tilespmem:$0x1AF0] =	vst v63  }
0xe5: {  	[tilespmem:s9], [sflag:$0x2] =	stream.linear.gather @!p2 [hbm4b:s7+s8], $0x80, $0x38;
	[tilespmem:$0x9B80] =	vst v63  }
0xe6: {  	s7 =	sadd.s32 @!p2 s25, s17  }
0xe7: {  	s9 =	simm.s32 @!p2 $0x1980;
	s7 =	sadd.s32 @!p2 $0x600, s7  }
0xe8: {  	[tilespmem:s9], [sflag:$0x2] =	stream.linear.gather @!p2 [hbm4b:s7+s8], $0x80, $0x38;
	[tilespmem:$0x9B80] =	vst v63  }
0xe9: {  	_ = 	snop  }
0xea: {  	[tilespmem:s23], [sflag:$0x4] =	stream.indirect.gather [spmem:s4], $0x80, s22, s3, $0xb8;
	[tilespmem:$0x9B80] =	vst v63  }
.Ltmp7:
0xeb: {  	_ = 	snop;
	(pc) =	sbr.rel .LBB2_8-.Ltmp7, $4  }
0xec: {  	_ =	swait.ge [sflag:s29], $0x4000  }
0xed: {  	[sflag:s29] =	ssyncset.done $0x0  }
0xee: {  	s16 =	sadd.s32 $0x10000, s20;
	[sflag:s29] =	ssyncadd.s32 $0xFFFFC000  }
0xef: {  	[hbm4b:s16+s5] =	stream.linear.scatter [tilespmem:s23], [sflag:$0x6], $0x4000, $0x38;
	[tilespmem:$0x9B80] =	vst v63  }
.LBB2_10:
0xf0: {  	_ =	sfence.sel $0x180000  }
0xf1: {  	[bflag:$0x0] =	sbarrier.arrive $0xFFFF  }
0xf2: {  	_ =	strace $0x90000047  }
0xf3: {  	s0 =	stileid.u32;
	[bflag:$0x2] =	sbarrier.arrive $0xFFFF  }
0xf4: {  	p0 =	sne.s32 s0, $0x0;
	s0 =	rddreg [dreg:$0x6]  }
0xf5: {  	s0 =	sadd.s32 @!p0 $0x100000, s0  }
0xf6: {  	[sflag:s0] =	ssyncadd.tile.s32 @!p0 $0x1;
	_ =	shalt  }
.Lfunc_end2:
_tile_overlayer_lowered:
.L_overlay_start_2:
0xf7: {  	(tag) =	ssettag $0x2  }
0xf8: {  	s0 =	rddreg [dreg:$0x0];
	s2 =	stileid.u32  }
0xf9: {  	s1 =	rddreg [dreg:$0x1];
	p0 =	sne.s32 s2, $0x0  }
0xfa: {  	s3 =	rddreg [dreg:$0x2];
	[bflag:$0x3] =	sbarrier.arrive $0xFFFF;
	s2 =	simm.s32 @!p0 $0x1C07  }
0xfb: {  	[timem:s3], [sflag:s2] =	dma.local @!p0 [hbm:s0], s1  }
0xfc: {  	s0 =	simm.s32 @!p0 $0x7  }
0xfd: {  	_ =	swait.ge @!p0 [sflag:s0], s1  }
0xfe: {  	s1 =	ssub.s32 @!p0 $0x0, s1;
	[sflag:s0] =	ssyncset.done @!p0 $0x0  }
0xff: {  	[sflag:s0] =	ssyncadd.s32 @!p0 s1  }
0x100: {  	[bflag:$0x3] =	sbarrier.arrive $0xFFFF  }
0x101: {  	_ =	shalt  }

</sc_bundles>
